<compile_context>
chip_gen: v7x
topology: tpu7x:2x2x1
jax: 0.10.2.dev20260603
libtpu: 0.0.44.dev20260713+nightly
codegen_flags: <defaults>
</compile_context>

<pallas_src>
import functools

import numpy as np
import jax
import jax.numpy as jnp
from jax import lax
from jax.experimental import pallas as pl
from jax.experimental.pallas import tpu as pltpu
from jax.experimental.pallas import tpu_sc as plsc

_C = 21
_NB = 1024
_CPAD = 24
_TRASH = 2 * _CPAD * _NB
_HROWS = 2 * _CPAD + 1
_HBINS = _HROWS * _NB
_B, _H, _W = 4, 512, 512
_HW = _H * _W
_P = _B * _HW
_NW = 32
_S = 1024
_CHUNKS_PER_W = _P // (_NW * _S)
_HB = 16
_PXB = _HB * _W
_JBLK = _HW // _PXB
_ROWS = _B * _JBLK * _CPAD
_MV = 15
_PAT = 16 * _MV
_SX = _S + 128


def _bins_body(x_ref, y_ref, out_ref):
    x = x_ref[0]
    y = y_ref[...]
    m = jnp.max(x, axis=0, keepdims=True)
    e = jnp.exp(x - m)
    s = jnp.sum(e, axis=0, keepdims=True)
    p = e / s
    nbf = jnp.float32(_NB)
    bneg = jnp.minimum((p * nbf).astype(jnp.int32), _NB - 1)
    bpos = jnp.minimum(((1.0 - p) * nbf).astype(jnp.int32), _NB - 1)
    cidx = lax.broadcasted_iota(jnp.int32, x.shape, 0)
    ispos = y == cidx
    val = cidx * _NB + jnp.where(ispos, _CPAD * _NB + bpos, bneg)
    ci = lax.broadcasted_iota(jnp.int32, (_CPAD - _C, _PXB), 0) + _C
    qi = lax.broadcasted_iota(jnp.int32, (_CPAD - _C, _PXB), 1)
    pad = _TRASH + ((ci + 8 * qi) & 15)
    out_ref[...] = jnp.concatenate([val.reshape(_C, _PXB), pad], axis=0)


def _cumsum_lanes(x):
    n = x.shape[-1]
    s = 1
    while s < n:
        shifted = jnp.concatenate(
            [jnp.zeros(x.shape[:-1] + (s,), x.dtype), x[..., :-s]], axis=-1)
        x = x + shifted
        s *= 2
    return x


def _fin_body(h_ref, out_ref):
    h = h_ref[...].reshape(_NW, _HROWS, _NB)
    hsum = jnp.sum(h, axis=0)
    neg = hsum[:_CPAD]
    pos = hsum[_CPAD:2 * _CPAD]
    allh = neg + pos
    t_tot = jnp.sum(pos, axis=-1, keepdims=True)
    n_tot = jnp.sum(allh, axis=-1, keepdims=True)
    pall = _cumsum_lanes(allh)
    ppos = _cumsum_lanes(pos)
    n_pre = n_tot - pall
    k_pre = t_tot - ppos
    n_post = n_pre + allh
    k_post = k_pre + pos

    def jacc(n, k):
        return 1.0 - (t_tot - k) / jnp.maximum(t_tot + n - k, 1.0)

    r = (lax.broadcasted_iota(jnp.int32, (_CPAD, _NB), 1).astype(jnp.float32)
         + 0.5) * (1.0 / _NB)
    loss_c = jnp.sum(r * (jacc(n_post, k_post) - jacc(n_pre, k_pre)),
                     axis=-1, keepdims=True)
    pres = (t_tot > 0).astype(jnp.float32)
    num = jnp.sum(loss_c * pres, axis=0, keepdims=True)
    den = jnp.sum(pres, axis=0, keepdims=True)
    out_ref[...] = num / jnp.maximum(den, 1.0)


_sc_mesh = plsc.VectorSubcoreMesh(core_axis_name="c", subcore_axis_name="s")


@functools.partial(
    pl.kernel,
    mesh=_sc_mesh,
    compiler_params=pltpu.CompilerParams(needs_layout_passes=False),
    out_type=jax.ShapeDtypeStruct((_NW * _HBINS,), jnp.float32),
    scratch_types=[
        pltpu.VMEM((_CPAD, _SX), jnp.int32),
        pltpu.VMEM((_CPAD, _SX), jnp.int32),
        pltpu.VMEM((_PAT,), jnp.int32),
        pltpu.VMEM((_PAT,), jnp.int32),
        pltpu.VMEM((_HBINS,), jnp.float32),
        pltpu.SemaphoreType.DMA,
        pltpu.SemaphoreType.DMA,
    ],
)
def _sc_hist(bins_hbm, prow_hbm, pcol_hbm, out_hbm, buf_a, buf_b,
             prow_v, pcol_v, hist_v, sem_a, sem_b):
    wid = lax.axis_index("s") * 2 + lax.axis_index("c")
    pltpu.sync_copy(prow_hbm, prow_v)
    pltpu.sync_copy(pcol_hbm, pcol_v)

    zero16 = jnp.zeros((16,), jnp.float32)

    def zbody(i, carry):
        hist_v[pl.ds(i * 16, 16)] = zero16
        return carry

    lax.fori_loop(0, _HBINS // 16, zbody, 0)

    ones16 = jnp.ones((16,), jnp.float32)
    g0 = wid * _CHUNKS_PER_W

    def fire(ci, buf, sem):
        g = g0 + ci
        rr = pl.ds((g // 8) * _CPAD, _CPAD)
        c0 = (g % 8) * _S
        pltpu.async_copy(bins_hbm.at[rr, pl.ds(c0, _S)],
                         buf.at[:, pl.ds(0, _S)], sem)
        pltpu.async_copy(bins_hbm.at[rr, pl.ds(c0, 128)],
                         buf.at[:, pl.ds(_S, 128)], sem)

    def drain(buf, sem):
        pltpu.make_async_copy(bins_hbm.at[pl.ds(0, _CPAD), pl.ds(0, _S)],
                              buf.at[:, pl.ds(0, _S)], sem).wait()
        pltpu.make_async_copy(bins_hbm.at[pl.ds(0, _CPAD), pl.ds(0, 128)],
                              buf.at[:, pl.ds(_S, 128)], sem).wait()

    rowp = [prow_v[pl.ds(k * 16, 16)] for k in range(3)]
    colp = [pcol_v[pl.ds(k * 16, 16)] for k in range(_MV)]

    def compute(buf):
        ivs0 = tuple(colp)

        def gbody(g, ivs):
            vals = [plsc.load_gather(buf, [rowp[m % 3], ivs[m]])
                    for m in range(_MV)]
            for m in range(_MV):
                plsc.addupdate_scatter(hist_v, [vals[m]], ones16)
            return tuple(iv + (16 * _MV // 24) for iv in ivs)

        lax.fori_loop(0, _CPAD * _S // (16 * _MV), gbody, ivs0)

    fire(0, buf_a, sem_a)

    def pair_body(i, carry):
        ci = i * 2
        fire(ci + 1, buf_b, sem_b)
        drain(buf_a, sem_a)
        compute(buf_a)

        @pl.when(ci + 2 < _CHUNKS_PER_W)
        def _():
            fire(ci + 2, buf_a, sem_a)

        drain(buf_b, sem_b)
        compute(buf_b)
        return carry

    lax.fori_loop(0, _CHUNKS_PER_W // 2, pair_body, 0)
    pltpu.sync_copy(hist_v, out_hbm.at[pl.ds(wid * _HBINS, _HBINS)])


_t = np.arange(_PAT)
_PROW = np.asarray(_t % _CPAD, dtype=np.int32)
_PCOL = np.asarray(_t // _CPAD + _t % _CPAD, dtype=np.int32)


def kernel(inputs, targets):
    y = targets.astype(jnp.int32)

    bins = pl.pallas_call(
        _bins_body,
        grid=(_B, _JBLK),
        in_specs=[
            pl.BlockSpec((1, _C, _HB, _W), lambda b, j: (b, 0, j, 0)),
            pl.BlockSpec((1, _HB, _W), lambda b, j: (b, j, 0)),
        ],
        out_specs=pl.BlockSpec((_CPAD, _PXB), lambda b, j: (b * _JBLK + j, 0)),
        out_shape=jax.ShapeDtypeStruct((_ROWS, _PXB), jnp.int32),
    )(inputs, y)

    parts = _sc_hist(bins, jnp.asarray(_PROW), jnp.asarray(_PCOL))

    out = pl.pallas_call(
        _fin_body,
        out_shape=jax.ShapeDtypeStruct((1, 1), jnp.float32),
    )(parts.reshape(_NW * _HROWS, _NB))
    return out[0, 0]

# --- scband reference (transcript-rebuilt; emitter-appended) ---
"""Pipeline reference for scband-lovasz-loss-softmax-61795989455136 (READ-ONLY COPY).

The authoritative reference and input builder live on the scoring server;
editing this copy changes nothing except your own understanding.
"""

import jax, jax.numpy as jnp
import numpy as np

IGNORE_INDEX = 255
NUM_CLASSES = 21


def lovasz_grad(gt_sorted):
    # gt_sorted: float32[P], ground-truth sorted by descending error
    gts = jnp.sum(gt_sorted)
    intersection = gts - jnp.cumsum(gt_sorted)
    union = gts + jnp.cumsum(1.0 - gt_sorted)
    jaccard = 1.0 - intersection / union
    # jaccard[1:] = jaccard[1:] - jaccard[:-1]
    jaccard = jnp.concatenate([jaccard[:1], jaccard[1:] - jaccard[:-1]])
    return jaccard


def setup_inputs(seed: int = 0):
    key = jax.random.key(seed)
    k1, k2 = jax.random.split(key)
    inputs = jax.random.normal(k1, (4, NUM_CLASSES, 512, 512), dtype=jnp.float32)
    targets = jax.random.randint(k2, (4, 512, 512), 0, NUM_CLASSES)
    return {"inputs": inputs, "targets": targets}


def reference(inputs, targets):
    # F.softmax(inputs, dim=1)
    probs = jax.nn.softmax(inputs, axis=1)
    B, C, H, W = probs.shape
    # flatten_probas: [B,C,H,W] -> [P,C], labels -> [P]
    probas = jnp.transpose(probs, (0, 2, 3, 1)).reshape(-1, C)
    labels = targets.reshape(-1)
    # ignore handling via masking (equivalent to filtering: masked pixels get
    # fg=0 and error=0, so they sort to the end and contribute 0 to the dot,
    # and do not perturb lovasz_grad prefix values)
    valid_f = (labels != IGNORE_INDEX).astype(jnp.float32)

    def class_loss(c):
        fg = (labels == c).astype(jnp.float32) * valid_f
        errors = jnp.abs(fg - probas[:, c]) * valid_f
        perm = jnp.argsort(-errors)  # descending sort of errors
        errors_sorted = jnp.take(errors, perm)
        fg_sorted = jnp.take(fg, perm)
        loss_c = jnp.dot(errors_sorted, lovasz_grad(fg_sorted))
        present = (jnp.sum(fg) > 0).astype(jnp.float32)
        return loss_c, present

    losses, presents = jax.vmap(class_loss)(jnp.arange(C))
    # classes='present': mean over classes that appear in the (valid) labels
    return jnp.sum(losses * presents) / jnp.maximum(jnp.sum(presents), 1.0)

if __name__ == "__main__":
    import jax
    _d = setup_inputs()
    print(jax.jit(kernel)(*tuple(_d.values())))

</pallas_src>

<mosaic_0001>
#map = affine_map<(d0, d1) -> (0, 0)>
#map1 = affine_map<(d0, d1) -> (0)>
module attributes {stable_mosaic.version = 14 : i64} {
  func.func @_sc_hist(%arg0: i32, %arg1: i32, %arg2: memref<3072x8192xi32, #tpu.memory_space<hbm>>, %arg3: memref<240xi32, #tpu.memory_space<hbm>>, %arg4: memref<240xi32, #tpu.memory_space<hbm>>, %arg5: memref<1605632xf32, #tpu.memory_space<hbm>>, %arg6: memref<24x1152xi32, #tpu.memory_space<vmem>>, %arg7: memref<24x1152xi32, #tpu.memory_space<vmem>>, %arg8: memref<240xi32, #tpu.memory_space<vmem>>, %arg9: memref<240xi32, #tpu.memory_space<vmem>>, %arg10: memref<50176xf32, #tpu.memory_space<vmem>>, %arg11: memref<!tpu.dma_semaphore, #tpu.memory_space<semaphore_mem>>, %arg12: memref<!tpu.dma_semaphore, #tpu.memory_space<semaphore_mem>>) attributes {dimension_semantics = [#tpu.dimension_semantics<core_parallel>, #tpu.dimension_semantics<subcore_parallel>], iteration_bounds = array<i64: 2, 16>, scalar_prefetch = 0 : i64, scratch_operands = 7 : i64, tpu.core_type = #tpu.core_type<sc_vector_subcore>, window_params = [{transform_indices = #map}, {transform_indices = #map1}, {transform_indices = #map1}, {transform_indices = #map1}]} {
    %mul3A = arith.constant 2 : i32
    %mul3A_0 = arith.muli %arg1, %mul3A : i32
    %add3A = arith.addi %mul3A_0, %arg0 : i32
    "tpu.region"() ({
      %run_scoped3A = tpu.sem_alloc : memref<!tpu.dma_semaphore, #tpu.memory_space<semaphore_mem>>
      tpu.enqueue_dma source(%arg3 : memref<240xi32, #tpu.memory_space<hbm>>) target(%arg8 : memref<240xi32, #tpu.memory_space<vmem>>) target_semaphore(%run_scoped3A : memref<!tpu.dma_semaphore, #tpu.memory_space<semaphore_mem>>)
      tpu.wait_dma2 semaphore(%run_scoped3A : memref<!tpu.dma_semaphore, #tpu.memory_space<semaphore_mem>>) src(%arg3 : memref<240xi32, #tpu.memory_space<hbm>>) dst(%arg8 : memref<240xi32, #tpu.memory_space<vmem>>)
      tpu.yield
    }) : () -> ()
    "tpu.region"() ({
      %run_scoped3A = tpu.sem_alloc : memref<!tpu.dma_semaphore, #tpu.memory_space<semaphore_mem>>
      tpu.enqueue_dma source(%arg4 : memref<240xi32, #tpu.memory_space<hbm>>) target(%arg9 : memref<240xi32, #tpu.memory_space<vmem>>) target_semaphore(%run_scoped3A : memref<!tpu.dma_semaphore, #tpu.memory_space<semaphore_mem>>)
      tpu.wait_dma2 semaphore(%run_scoped3A : memref<!tpu.dma_semaphore, #tpu.memory_space<semaphore_mem>>) src(%arg4 : memref<240xi32, #tpu.memory_space<hbm>>) dst(%arg9 : memref<240xi32, #tpu.memory_space<vmem>>)
      tpu.yield
    }) : () -> ()
    %broadcast_in_dim3A = arith.constant 0.000000e+00 : f32
    %broadcast_in_dim3A_1 = vector.broadcast %broadcast_in_dim3A : f32 to vector<16xf32>
    %scan3A = arith.constant 0 : i32
    %scan3A_2 = arith.constant 0 : i32
    %scan3A_3 = arith.constant 3136 : i32
    %scan3A_4 = arith.addi %scan3A_2, %scan3A_3 : i32
    %scan3A_5 = arith.constant 1 : i32
    scf.for %scan3A_105 = %scan3A_2 to %scan3A_4 step %scan3A_5  : i32 {
      %mul3A_106 = arith.constant 16 : i32
      %mul3A_107 = arith.muli %scan3A_105, %mul3A_106 : i32
      %swap3A = arith.index_cast %mul3A_107 : i32 to index
      %swap3A_108 = tpu.vector_load %arg10[%swap3A] {strides = array<i32>} : memref<50176xf32, #tpu.memory_space<vmem>>, vector<16xf32>,
      tpu.vector_store %arg10[%swap3A], %broadcast_in_dim3A_1 {strides = array<i32>} : memref<50176xf32, #tpu.memory_space<vmem>>, vector<16xf32>,
    }
    %scan3A_6 = arith.constant 3136 : i32
    %broadcast_in_dim3A_7 = arith.constant 1.000000e+00 : f32
    %broadcast_in_dim3A_8 = vector.broadcast %broadcast_in_dim3A_7 : f32 to vector<16xf32>
    %mul3A_9 = arith.constant 32 : i32
    %mul3A_10 = arith.muli %add3A, %mul3A_9 : i32
    %get3A = arith.constant 0 : index
    %get3A_11 = tpu.vector_load %arg8[%get3A] {strides = array<i32>} : memref<240xi32, #tpu.memory_space<vmem>>, vector<16xi32>,
    %get3A_12 = arith.constant 16 : index
    %get3A_13 = tpu.vector_load %arg8[%get3A_12] {strides = array<i32>} : memref<240xi32, #tpu.memory_space<vmem>>, vector<16xi32>,
    %get3A_14 = arith.constant 32 : index
    %get3A_15 = tpu.vector_load %arg8[%get3A_14] {strides = array<i32>} : memref<240xi32, #tpu.memory_space<vmem>>, vector<16xi32>,
    %get3A_16 = arith.constant 0 : index
    %get3A_17 = tpu.vector_load %arg9[%get3A_16] {strides = array<i32>} : memref<240xi32, #tpu.memory_space<vmem>>, vector<16xi32>,
    %get3A_18 = arith.constant 16 : index
    %get3A_19 = tpu.vector_load %arg9[%get3A_18] {strides = array<i32>} : memref<240xi32, #tpu.memory_space<vmem>>, vector<16xi32>,
    %get3A_20 = arith.constant 32 : index
    %get3A_21 = tpu.vector_load %arg9[%get3A_20] {strides = array<i32>} : memref<240xi32, #tpu.memory_space<vmem>>, vector<16xi32>,
    %get3A_22 = arith.constant 48 : index
    %get3A_23 = tpu.vector_load %arg9[%get3A_22] {strides = array<i32>} : memref<240xi32, #tpu.memory_space<vmem>>, vector<16xi32>,
    %get3A_24 = arith.constant 64 : index
    %get3A_25 = tpu.vector_load %arg9[%get3A_24] {strides = array<i32>} : memref<240xi32, #tpu.memory_space<vmem>>, vector<16xi32>,
    %get3A_26 = arith.constant 80 : index
    %get3A_27 = tpu.vector_load %arg9[%get3A_26] {strides = array<i32>} : memref<240xi32, #tpu.memory_space<vmem>>, vector<16xi32>,
    %get3A_28 = arith.constant 96 : index
    %get3A_29 = tpu.vector_load %arg9[%get3A_28] {strides = array<i32>} : memref<240xi32, #tpu.memory_space<vmem>>, vector<16xi32>,
    %get3A_30 = arith.constant 112 : index
    %get3A_31 = tpu.vector_load %arg9[%get3A_30] {strides = array<i32>} : memref<240xi32, #tpu.memory_space<vmem>>, vector<16xi32>,
    %get3A_32 = arith.constant 128 : index
    %get3A_33 = tpu.vector_load %arg9[%get3A_32] {strides = array<i32>} : memref<240xi32, #tpu.memory_space<vmem>>, vector<16xi32>,
    %get3A_34 = arith.constant 144 : index
    %get3A_35 = tpu.vector_load %arg9[%get3A_34] {strides = array<i32>} : memref<240xi32, #tpu.memory_space<vmem>>, vector<16xi32>,
    %get3A_36 = arith.constant 160 : index
    %get3A_37 = tpu.vector_load %arg9[%get3A_36] {strides = array<i32>} : memref<240xi32, #tpu.memory_space<vmem>>, vector<16xi32>,
    %get3A_38 = arith.constant 176 : index
    %get3A_39 = tpu.vector_load %arg9[%get3A_38] {strides = array<i32>} : memref<240xi32, #tpu.memory_space<vmem>>, vector<16xi32>,
    %get3A_40 = arith.constant 192 : index
    %get3A_41 = tpu.vector_load %arg9[%get3A_40] {strides = array<i32>} : memref<240xi32, #tpu.memory_space<vmem>>, vector<16xi32>,
    %get3A_42 = arith.constant 208 : index
    %get3A_43 = tpu.vector_load %arg9[%get3A_42] {strides = array<i32>} : memref<240xi32, #tpu.memory_space<vmem>>, vector<16xi32>,
    %get3A_44 = arith.constant 224 : index
    %get3A_45 = tpu.vector_load %arg9[%get3A_44] {strides = array<i32>} : memref<240xi32, #tpu.memory_space<vmem>>, vector<16xi32>,
    %add3A_46 = arith.constant 0 : i32
    %add3A_47 = arith.addi %mul3A_10, %add3A_46 : i32
    %jit3A = arith.constant 8 : i32
    %div3A = arith.divsi %add3A_47, %jit3A : i32
    %sign3A = arith.constant 0 : i32
    %sign3A_48 = arith.cmpi sgt, %add3A_47, %sign3A : i32
    %sign3A_49 = arith.extui %sign3A_48 : i1 to i32
    %sign3A_50 = arith.constant 0 : i32
    %sign3A_51 = arith.cmpi slt, %add3A_47, %sign3A_50 : i32
    %sign3A_52 = arith.extui %sign3A_51 : i1 to i32
    %sign3A_53 = arith.subi %sign3A_49, %sign3A_52 : i32
    %sign3A_54 = arith.constant 0 : i32
    %sign3A_55 = arith.cmpi sgt, %jit3A, %sign3A_54 : i32
    %sign3A_56 = arith.extui %sign3A_55 : i1 to i32
    %sign3A_57 = arith.constant 0 : i32
    %sign3A_58 = arith.cmpi slt, %jit3A, %sign3A_57 : i32
    %sign3A_59 = arith.extui %sign3A_58 : i1 to i32
    %sign3A_60 = arith.subi %sign3A_56, %sign3A_59 : i32
    %ne3A = arith.cmpi ne, %sign3A_53, %sign3A_60 : i32
    %rem3A = arith.remsi %add3A_47, %jit3A : i32
    %ne3A_61 = arith.constant 0 : i32
    %ne3A_62 = arith.cmpi ne, %rem3A, %ne3A_61 : i32
    %and3A = arith.andi %ne3A, %ne3A_62 : i1
    %sub3A = arith.constant 1 : i32
    %sub3A_63 = arith.subi %div3A, %sub3A : i32
    %select_n3A = arith.select %and3A, %sub3A_63, %div3A : i32
    %mul3A_64 = arith.constant 24 : i32
    %mul3A_65 = arith.muli %select_n3A, %mul3A_64 : i32
    %jit3A_66 = arith.constant 8 : i32
    %eq3A = arith.constant 0 : i32
    %eq3A_67 = arith.cmpi eq, %jit3A_66, %eq3A : i32
    %jit3A_68 = arith.constant 1 : i32
    %select_n3A_69 = arith.select %eq3A_67, %jit3A_68, %jit3A_66 : i32
    %rem3A_70 = arith.remsi %add3A_47, %select_n3A_69 : i32
    %ne3A_71 = arith.constant 0 : i32
    %ne3A_72 = arith.cmpi ne, %rem3A_70, %ne3A_71 : i32
    %lt3A = arith.constant 0 : i32
    %lt3A_73 = arith.cmpi slt, %rem3A_70, %lt3A : i32
    %lt3A_74 = arith.constant 0 : i32
    %lt3A_75 = arith.cmpi slt, %select_n3A_69, %lt3A_74 : i32
    %ne3A_76 = arith.xori %lt3A_73, %lt3A_75 : i1
    %and3A_77 = arith.andi %ne3A_76, %ne3A_72 : i1
    %add3A_78 = arith.addi %rem3A_70, %select_n3A_69 : i32
    %select_n3A_79 = arith.select %and3A_77, %add3A_78, %rem3A_70 : i32
    %mul3A_80 = arith.constant 1024 : i32
    %mul3A_81 = arith.muli %select_n3A_79, %mul3A_80 : i32
    %dma_start3A = arith.constant 0 : i32
    %dma_start3A_82 = arith.constant 0 : i32
    %dma_start3A_83 = tpu.memref_slice %arg6[%dma_start3A, %dma_start3A_82] : memref<24x1152xi32, #tpu.memory_space<vmem>> -> memref<24x1024xi32, #tpu.memory_space<vmem>>
    %dma_start3A_84 = tpu.memref_slice %arg2[%mul3A_65, %mul3A_81] : memref<3072x8192xi32, #tpu.memory_space<hbm>> -> memref<24x1024xi32, #tpu.memory_space<hbm>>
    %dma_start3A_85 = arith.constant 0 : i32
    %dma_start3A_86 = arith.constant 0 : i32
    %dma_start3A_87 = tpu.memref_slice %arg6[%dma_start3A_85, %dma_start3A_86] : memref<24x1152xi32, #tpu.memory_space<vmem>> -> memref<24x1024xi32, #tpu.memory_space<vmem>>
    %dma_start3A_88 = tpu.memref_slice %arg2[%mul3A_65, %mul3A_81] : memref<3072x8192xi32, #tpu.memory_space<hbm>> -> memref<24x1024xi32, #tpu.memory_space<hbm>>
    tpu.enqueue_dma source(%dma_start3A_88 : memref<24x1024xi32, #tpu.memory_space<hbm>>) target(%dma_start3A_87 : memref<24x1024xi32, #tpu.memory_space<vmem>>) target_semaphore(%arg11 : memref<!tpu.dma_semaphore, #tpu.memory_space<semaphore_mem>>)
    %dma_start3A_89 = arith.constant 0 : i32
    %dma_start3A_90 = arith.constant 1024 : i32
    %dma_start3A_91 = tpu.memref_slice %arg6[%dma_start3A_89, %dma_start3A_90] : memref<24x1152xi32, #tpu.memory_space<vmem>> -> memref<24x128xi32, #tpu.memory_space<vmem>>
    %dma_start3A_92 = tpu.memref_slice %arg2[%mul3A_65, %mul3A_81] : memref<3072x8192xi32, #tpu.memory_space<hbm>> -> memref<24x128xi32, #tpu.memory_space<hbm>>
    %dma_start3A_93 = arith.constant 0 : i32
    %dma_start3A_94 = arith.constant 1024 : i32
    %dma_start3A_95 = tpu.memref_slice %arg6[%dma_start3A_93, %dma_start3A_94] : memref<24x1152xi32, #tpu.memory_space<vmem>> -> memref<24x128xi32, #tpu.memory_space<vmem>>
    %dma_start3A_96 = tpu.memref_slice %arg2[%mul3A_65, %mul3A_81] : memref<3072x8192xi32, #tpu.memory_space<hbm>> -> memref<24x128xi32, #tpu.memory_space<hbm>>
    tpu.enqueue_dma source(%dma_start3A_96 : memref<24x128xi32, #tpu.memory_space<hbm>>) target(%dma_start3A_95 : memref<24x128xi32, #tpu.memory_space<vmem>>) target_semaphore(%arg11 : memref<!tpu.dma_semaphore, #tpu.memory_space<semaphore_mem>>)
    %scan3A_97 = arith.constant 0 : i32
    %scan3A_98 = arith.constant 0 : i32
    %scan3A_99 = arith.constant 16 : i32
    %scan3A_100 = arith.addi %scan3A_98, %scan3A_99 : i32
    %scan3A_101 = arith.constant 1 : i32
    scf.for %scan3A_105 = %scan3A_98 to %scan3A_100 step %scan3A_101  : i32 {
      %mul3A_106 = arith.constant 2 : i32
      %mul3A_107 = arith.muli %scan3A_105, %mul3A_106 : i32
      %add3A_108 = arith.constant 1 : i32
      %add3A_109 = arith.addi %mul3A_107, %add3A_108 : i32
      %add3A_110 = arith.addi %mul3A_10, %add3A_109 : i32
      %jit3A_111 = arith.constant 8 : i32
      %div3A_112 = arith.divsi %add3A_110, %jit3A_111 : i32
      %sign3A_113 = arith.constant 0 : i32
      %sign3A_114 = arith.cmpi sgt, %add3A_110, %sign3A_113 : i32
      %sign3A_115 = arith.extui %sign3A_114 : i1 to i32
      %sign3A_116 = arith.constant 0 : i32
      %sign3A_117 = arith.cmpi slt, %add3A_110, %sign3A_116 : i32
      %sign3A_118 = arith.extui %sign3A_117 : i1 to i32
      %sign3A_119 = arith.subi %sign3A_115, %sign3A_118 : i32
      %sign3A_120 = arith.constant 0 : i32
      %sign3A_121 = arith.cmpi sgt, %jit3A_111, %sign3A_120 : i32
      %sign3A_122 = arith.extui %sign3A_121 : i1 to i32
      %sign3A_123 = arith.constant 0 : i32
      %sign3A_124 = arith.cmpi slt, %jit3A_111, %sign3A_123 : i32
      %sign3A_125 = arith.extui %sign3A_124 : i1 to i32
      %sign3A_126 = arith.subi %sign3A_122, %sign3A_125 : i32
      %ne3A_127 = arith.cmpi ne, %sign3A_119, %sign3A_126 : i32
      %rem3A_128 = arith.remsi %add3A_110, %jit3A_111 : i32
      %ne3A_129 = arith.constant 0 : i32
      %ne3A_130 = arith.cmpi ne, %rem3A_128, %ne3A_129 : i32
      %and3A_131 = arith.andi %ne3A_127, %ne3A_130 : i1
      %sub3A_132 = arith.constant 1 : i32
      %sub3A_133 = arith.subi %div3A_112, %sub3A_132 : i32
      %select_n3A_134 = arith.select %and3A_131, %sub3A_133, %div3A_112 : i32
      %mul3A_135 = arith.constant 24 : i32
      %mul3A_136 = arith.muli %select_n3A_134, %mul3A_135 : i32
      %jit3A_137 = arith.constant 8 : i32
      %eq3A_138 = arith.constant 0 : i32
      %eq3A_139 = arith.cmpi eq, %jit3A_137, %eq3A_138 : i32
      %jit3A_140 = arith.constant 1 : i32
      %select_n3A_141 = arith.select %eq3A_139, %jit3A_140, %jit3A_137 : i32
      %rem3A_142 = arith.remsi %add3A_110, %select_n3A_141 : i32
      %ne3A_143 = arith.constant 0 : i32
      %ne3A_144 = arith.cmpi ne, %rem3A_142, %ne3A_143 : i32
      %lt3A_145 = arith.constant 0 : i32
      %lt3A_146 = arith.cmpi slt, %rem3A_142, %lt3A_145 : i32
      %lt3A_147 = arith.constant 0 : i32
      %lt3A_148 = arith.cmpi slt, %select_n3A_141, %lt3A_147 : i32
      %ne3A_149 = arith.xori %lt3A_146, %lt3A_148 : i1
      %and3A_150 = arith.andi %ne3A_149, %ne3A_144 : i1
      %add3A_151 = arith.addi %rem3A_142, %select_n3A_141 : i32
      %select_n3A_152 = arith.select %and3A_150, %add3A_151, %rem3A_142 : i32
      %mul3A_153 = arith.constant 1024 : i32
      %mul3A_154 = arith.muli %select_n3A_152, %mul3A_153 : i32
      %dma_start3A_155 = arith.constant 0 : i32
      %dma_start3A_156 = arith.constant 0 : i32
      %dma_start3A_157 = tpu.memref_slice %arg7[%dma_start3A_155, %dma_start3A_156] : memref<24x1152xi32, #tpu.memory_space<vmem>> -> memref<24x1024xi32, #tpu.memory_space<vmem>>
      %dma_start3A_158 = tpu.memref_slice %arg2[%mul3A_136, %mul3A_154] : memref<3072x8192xi32, #tpu.memory_space<hbm>> -> memref<24x1024xi32, #tpu.memory_space<hbm>>
      %dma_start3A_159 = arith.constant 0 : i32
      %dma_start3A_160 = arith.constant 0 : i32
      %dma_start3A_161 = tpu.memref_slice %arg7[%dma_start3A_159, %dma_start3A_160] : memref<24x1152xi32, #tpu.memory_space<vmem>> -> memref<24x1024xi32, #tpu.memory_space<vmem>>
      %dma_start3A_162 = tpu.memref_slice %arg2[%mul3A_136, %mul3A_154] : memref<3072x8192xi32, #tpu.memory_space<hbm>> -> memref<24x1024xi32, #tpu.memory_space<hbm>>
      tpu.enqueue_dma source(%dma_start3A_162 : memref<24x1024xi32, #tpu.memory_space<hbm>>) target(%dma_start3A_161 : memref<24x1024xi32, #tpu.memory_space<vmem>>) target_semaphore(%arg12 : memref<!tpu.dma_semaphore, #tpu.memory_space<semaphore_mem>>)
      %dma_start3A_163 = arith.constant 0 : i32
      %dma_start3A_164 = arith.constant 1024 : i32
      %dma_start3A_165 = tpu.memref_slice %arg7[%dma_start3A_163, %dma_start3A_164] : memref<24x1152xi32, #tpu.memory_space<vmem>> -> memref<24x128xi32, #tpu.memory_space<vmem>>
      %dma_start3A_166 = tpu.memref_slice %arg2[%mul3A_136, %mul3A_154] : memref<3072x8192xi32, #tpu.memory_space<hbm>> -> memref<24x128xi32, #tpu.memory_space<hbm>>
      %dma_start3A_167 = arith.constant 0 : i32
      %dma_start3A_168 = arith.constant 1024 : i32
      %dma_start3A_169 = tpu.memref_slice %arg7[%dma_start3A_167, %dma_start3A_168] : memref<24x1152xi32, #tpu.memory_space<vmem>> -> memref<24x128xi32, #tpu.memory_space<vmem>>
      %dma_start3A_170 = tpu.memref_slice %arg2[%mul3A_136, %mul3A_154] : memref<3072x8192xi32, #tpu.memory_space<hbm>> -> memref<24x128xi32, #tpu.memory_space<hbm>>
      tpu.enqueue_dma source(%dma_start3A_170 : memref<24x128xi32, #tpu.memory_space<hbm>>) target(%dma_start3A_169 : memref<24x128xi32, #tpu.memory_space<vmem>>) target_semaphore(%arg12 : memref<!tpu.dma_semaphore, #tpu.memory_space<semaphore_mem>>)
      %dma_wait3A = arith.constant 0 : i32
      %dma_wait3A_171 = arith.constant 0 : i32
      %dma_wait3A_172 = tpu.memref_slice %arg6[%dma_wait3A, %dma_wait3A_171] : memref<24x1152xi32, #tpu.memory_space<vmem>> -> memref<24x1024xi32, #tpu.memory_space<vmem>>
      %dma_wait3A_173 = arith.constant 0 : i32
      %dma_wait3A_174 = arith.constant 0 : i32
      %dma_wait3A_175 = tpu.memref_slice %arg2[%dma_wait3A_173, %dma_wait3A_174] : memref<3072x8192xi32, #tpu.memory_space<hbm>> -> memref<24x1024xi32, #tpu.memory_space<hbm>>
      %dma_wait3A_176 = arith.constant 0 : i32
      %dma_wait3A_177 = arith.constant 0 : i32
      %dma_wait3A_178 = tpu.memref_slice %arg6[%dma_wait3A_176, %dma_wait3A_177] : memref<24x1152xi32, #tpu.memory_space<vmem>> -> memref<24x1024xi32, #tpu.memory_space<vmem>>
      %dma_wait3A_179 = arith.constant 0 : i32
      %dma_wait3A_180 = arith.constant 0 : i32
      %dma_wait3A_181 = tpu.memref_slice %arg2[%dma_wait3A_179, %dma_wait3A_180] : memref<3072x8192xi32, #tpu.memory_space<hbm>> -> memref<24x1024xi32, #tpu.memory_space<hbm>>
      tpu.wait_dma2 semaphore(%arg11 : memref<!tpu.dma_semaphore, #tpu.memory_space<semaphore_mem>>) src(%dma_wait3A_181 : memref<24x1024xi32, #tpu.memory_space<hbm>>) dst(%dma_wait3A_178 : memref<24x1024xi32, #tpu.memory_space<vmem>>)
      %dma_wait3A_182 = arith.constant 0 : i32
      %dma_wait3A_183 = arith.constant 1024 : i32
      %dma_wait3A_184 = tpu.memref_slice %arg6[%dma_wait3A_182, %dma_wait3A_183] : memref<24x1152xi32, #tpu.memory_space<vmem>> -> memref<24x128xi32, #tpu.memory_space<vmem>>
      %dma_wait3A_185 = arith.constant 0 : i32
      %dma_wait3A_186 = arith.constant 0 : i32
      %dma_wait3A_187 = tpu.memref_slice %arg2[%dma_wait3A_185, %dma_wait3A_186] : memref<3072x8192xi32, #tpu.memory_space<hbm>> -> memref<24x128xi32, #tpu.memory_space<hbm>>
      %dma_wait3A_188 = arith.constant 0 : i32
      %dma_wait3A_189 = arith.constant 1024 : i32
      %dma_wait3A_190 = tpu.memref_slice %arg6[%dma_wait3A_188, %dma_wait3A_189] : memref<24x1152xi32, #tpu.memory_space<vmem>> -> memref<24x128xi32, #tpu.memory_space<vmem>>
      %dma_wait3A_191 = arith.constant 0 : i32
      %dma_wait3A_192 = arith.constant 0 : i32
      %dma_wait3A_193 = tpu.memref_slice %arg2[%dma_wait3A_191, %dma_wait3A_192] : memref<3072x8192xi32, #tpu.memory_space<hbm>> -> memref<24x128xi32, #tpu.memory_space<hbm>>
      tpu.wait_dma2 semaphore(%arg11 : memref<!tpu.dma_semaphore, #tpu.memory_space<semaphore_mem>>) src(%dma_wait3A_193 : memref<24x128xi32, #tpu.memory_space<hbm>>) dst(%dma_wait3A_190 : memref<24x128xi32, #tpu.memory_space<vmem>>)
      %scan3A_194 = arith.constant 0 : i32
      %scan3A_195 = arith.constant 102 : i32
      %scan3A_196 = arith.addi %scan3A_194, %scan3A_195 : i32
      %scan3A_197 = arith.constant 1 : i32
      %scan3A_198:15 = scf.for %scan3A_235 = %scan3A_194 to %scan3A_196 step %scan3A_197 iter_args(%scan3A_236 = %get3A_17, %scan3A_237 = %get3A_19, %scan3A_238 = %get3A_21, %scan3A_239 = %get3A_23, %scan3A_240 = %get3A_25, %scan3A_241 = %get3A_27, %scan3A_242 = %get3A_29, %scan3A_243 = %get3A_31, %scan3A_244 = %get3A_33, %scan3A_245 = %get3A_35, %scan3A_246 = %get3A_37, %scan3A_247 = %get3A_39, %scan3A_248 = %get3A_41, %scan3A_249 = %get3A_43, %scan3A_250 = %get3A_45) -> (vector<16xi32>, vector<16xi32>, vector<16xi32>, vector<16xi32>, vector<16xi32>, vector<16xi32>, vector<16xi32>, vector<16xi32>, vector<16xi32>, vector<16xi32>, vector<16xi32>, vector<16xi32>, vector<16xi32>, vector<16xi32>, vector<16xi32>)  : i32 {
        %gather3A = tpu.vector_load_idx %arg6[%get3A_11, %scan3A_236] : memref<24x1152xi32, #tpu.memory_space<vmem>>[vector<16xi32>, vector<16xi32>], vector<16xi32>,
        %gather3A_251 = tpu.vector_load_idx %arg6[%get3A_13, %scan3A_237] : memref<24x1152xi32, #tpu.memory_space<vmem>>[vector<16xi32>, vector<16xi32>], vector<16xi32>,
        %gather3A_252 = tpu.vector_load_idx %arg6[%get3A_15, %scan3A_238] : memref<24x1152xi32, #tpu.memory_space<vmem>>[vector<16xi32>, vector<16xi32>], vector<16xi32>,
        %gather3A_253 = tpu.vector_load_idx %arg6[%get3A_11, %scan3A_239] : memref<24x1152xi32, #tpu.memory_space<vmem>>[vector<16xi32>, vector<16xi32>], vector<16xi32>,
        %gather3A_254 = tpu.vector_load_idx %arg6[%get3A_13, %scan3A_240] : memref<24x1152xi32, #tpu.memory_space<vmem>>[vector<16xi32>, vector<16xi32>], vector<16xi32>,
        %gather3A_255 = tpu.vector_load_idx %arg6[%get3A_15, %scan3A_241] : memref<24x1152xi32, #tpu.memory_space<vmem>>[vector<16xi32>, vector<16xi32>], vector<16xi32>,
        %gather3A_256 = tpu.vector_load_idx %arg6[%get3A_11, %scan3A_242] : memref<24x1152xi32, #tpu.memory_space<vmem>>[vector<16xi32>, vector<16xi32>], vector<16xi32>,
        %gather3A_257 = tpu.vector_load_idx %arg6[%get3A_13, %scan3A_243] : memref<24x1152xi32, #tpu.memory_space<vmem>>[vector<16xi32>, vector<16xi32>], vector<16xi32>,
        %gather3A_258 = tpu.vector_load_idx %arg6[%get3A_15, %scan3A_244] : memref<24x1152xi32, #tpu.memory_space<vmem>>[vector<16xi32>, vector<16xi32>], vector<16xi32>,
        %gather3A_259 = tpu.vector_load_idx %arg6[%get3A_11, %scan3A_245] : memref<24x1152xi32, #tpu.memory_space<vmem>>[vector<16xi32>, vector<16xi32>], vector<16xi32>,
        %gather3A_260 = tpu.vector_load_idx %arg6[%get3A_13, %scan3A_246] : memref<24x1152xi32, #tpu.memory_space<vmem>>[vector<16xi32>, vector<16xi32>], vector<16xi32>,
        %gather3A_261 = tpu.vector_load_idx %arg6[%get3A_15, %scan3A_247] : memref<24x1152xi32, #tpu.memory_space<vmem>>[vector<16xi32>, vector<16xi32>], vector<16xi32>,
        %gather3A_262 = tpu.vector_load_idx %arg6[%get3A_11, %scan3A_248] : memref<24x1152xi32, #tpu.memory_space<vmem>>[vector<16xi32>, vector<16xi32>], vector<16xi32>,
        %gather3A_263 = tpu.vector_load_idx %arg6[%get3A_13, %scan3A_249] : memref<24x1152xi32, #tpu.memory_space<vmem>>[vector<16xi32>, vector<16xi32>], vector<16xi32>,
        %gather3A_264 = tpu.vector_load_idx %arg6[%get3A_15, %scan3A_250] : memref<24x1152xi32, #tpu.memory_space<vmem>>[vector<16xi32>, vector<16xi32>], vector<16xi32>,
        tpu.vector_store_idx %arg10[%gather3A], %broadcast_in_dim3A_8 {add = true} : memref<50176xf32, #tpu.memory_space<vmem>>[vector<16xi32>], vector<16xf32>,
        tpu.vector_store_idx %arg10[%gather3A_251], %broadcast_in_dim3A_8 {add = true} : memref<50176xf32, #tpu.memory_space<vmem>>[vector<16xi32>], vector<16xf32>,
        tpu.vector_store_idx %arg10[%gather3A_252], %broadcast_in_dim3A_8 {add = true} : memref<50176xf32, #tpu.memory_space<vmem>>[vector<16xi32>], vector<16xf32>,
        tpu.vector_store_idx %arg10[%gather3A_253], %broadcast_in_dim3A_8 {add = true} : memref<50176xf32, #tpu.memory_space<vmem>>[vector<16xi32>], vector<16xf32>,
        tpu.vector_store_idx %arg10[%gather3A_254], %broadcast_in_dim3A_8 {add = true} : memref<50176xf32, #tpu.memory_space<vmem>>[vector<16xi32>], vector<16xf32>,
        tpu.vector_store_idx %arg10[%gather3A_255], %broadcast_in_dim3A_8 {add = true} : memref<50176xf32, #tpu.memory_space<vmem>>[vector<16xi32>], vector<16xf32>,
        tpu.vector_store_idx %arg10[%gather3A_256], %broadcast_in_dim3A_8 {add = true} : memref<50176xf32, #tpu.memory_space<vmem>>[vector<16xi32>], vector<16xf32>,
        tpu.vector_store_idx %arg10[%gather3A_257], %broadcast_in_dim3A_8 {add = true} : memref<50176xf32, #tpu.memory_space<vmem>>[vector<16xi32>], vector<16xf32>,
        tpu.vector_store_idx %arg10[%gather3A_258], %broadcast_in_dim3A_8 {add = true} : memref<50176xf32, #tpu.memory_space<vmem>>[vector<16xi32>], vector<16xf32>,
        tpu.vector_store_idx %arg10[%gather3A_259], %broadcast_in_dim3A_8 {add = true} : memref<50176xf32, #tpu.memory_space<vmem>>[vector<16xi32>], vector<16xf32>,
        tpu.vector_store_idx %arg10[%gather3A_260], %broadcast_in_dim3A_8 {add = true} : memref<50176xf32, #tpu.memory_space<vmem>>[vector<16xi32>], vector<16xf32>,
        tpu.vector_store_idx %arg10[%gather3A_261], %broadcast_in_dim3A_8 {add = true} : memref<50176xf32, #tpu.memory_space<vmem>>[vector<16xi32>], vector<16xf32>,
        tpu.vector_store_idx %arg10[%gather3A_262], %broadcast_in_dim3A_8 {add = true} : memref<50176xf32, #tpu.memory_space<vmem>>[vector<16xi32>], vector<16xf32>,
        tpu.vector_store_idx %arg10[%gather3A_263], %broadcast_in_dim3A_8 {add = true} : memref<50176xf32, #tpu.memory_space<vmem>>[vector<16xi32>], vector<16xf32>,
        tpu.vector_store_idx %arg10[%gather3A_264], %broadcast_in_dim3A_8 {add = true} : memref<50176xf32, #tpu.memory_space<vmem>>[vector<16xi32>], vector<16xf32>,
        %add3A_265 = arith.constant 10 : i32
        %add3A_266 = vector.broadcast %add3A_265 : i32 to vector<16xi32>
        %add3A_267 = arith.addi %scan3A_236, %add3A_266 : vector<16xi32>
        %add3A_268 = arith.constant 10 : i32
        %add3A_269 = vector.broadcast %add3A_268 : i32 to vector<16xi32>
        %add3A_270 = arith.addi %scan3A_237, %add3A_269 : vector<16xi32>
        %add3A_271 = arith.constant 10 : i32
        %add3A_272 = vector.broadcast %add3A_271 : i32 to vector<16xi32>
        %add3A_273 = arith.addi %scan3A_238, %add3A_272 : vector<16xi32>
        %add3A_274 = arith.constant 10 : i32
        %add3A_275 = vector.broadcast %add3A_274 : i32 to vector<16xi32>
        %add3A_276 = arith.addi %scan3A_239, %add3A_275 : vector<16xi32>
        %add3A_277 = arith.constant 10 : i32
        %add3A_278 = vector.broadcast %add3A_277 : i32 to vector<16xi32>
        %add3A_279 = arith.addi %scan3A_240, %add3A_278 : vector<16xi32>
        %add3A_280 = arith.constant 10 : i32
        %add3A_281 = vector.broadcast %add3A_280 : i32 to vector<16xi32>
        %add3A_282 = arith.addi %scan3A_241, %add3A_281 : vector<16xi32>
        %add3A_283 = arith.constant 10 : i32
        %add3A_284 = vector.broadcast %add3A_283 : i32 to vector<16xi32>
        %add3A_285 = arith.addi %scan3A_242, %add3A_284 : vector<16xi32>
        %add3A_286 = arith.constant 10 : i32
        %add3A_287 = vector.broadcast %add3A_286 : i32 to vector<16xi32>
        %add3A_288 = arith.addi %scan3A_243, %add3A_287 : vector<16xi32>
        %add3A_289 = arith.constant 10 : i32
        %add3A_290 = vector.broadcast %add3A_289 : i32 to vector<16xi32>
        %add3A_291 = arith.addi %scan3A_244, %add3A_290 : vector<16xi32>
        %add3A_292 = arith.constant 10 : i32
        %add3A_293 = vector.broadcast %add3A_292 : i32 to vector<16xi32>
        %add3A_294 = arith.addi %scan3A_245, %add3A_293 : vector<16xi32>
        %add3A_295 = arith.constant 10 : i32
        %add3A_296 = vector.broadcast %add3A_295 : i32 to vector<16xi32>
        %add3A_297 = arith.addi %scan3A_246, %add3A_296 : vector<16xi32>
        %add3A_298 = arith.constant 10 : i32
        %add3A_299 = vector.broadcast %add3A_298 : i32 to vector<16xi32>
        %add3A_300 = arith.addi %scan3A_247, %add3A_299 : vector<16xi32>
        %add3A_301 = arith.constant 10 : i32
        %add3A_302 = vector.broadcast %add3A_301 : i32 to vector<16xi32>
        %add3A_303 = arith.addi %scan3A_248, %add3A_302 : vector<16xi32>
        %add3A_304 = arith.constant 10 : i32
        %add3A_305 = vector.broadcast %add3A_304 : i32 to vector<16xi32>
        %add3A_306 = arith.addi %scan3A_249, %add3A_305 : vector<16xi32>
        %add3A_307 = arith.constant 10 : i32
        %add3A_308 = vector.broadcast %add3A_307 : i32 to vector<16xi32>
        %add3A_309 = arith.addi %scan3A_250, %add3A_308 : vector<16xi32>
        scf.yield %add3A_267, %add3A_270, %add3A_273, %add3A_276, %add3A_279, %add3A_282, %add3A_285, %add3A_288, %add3A_291, %add3A_294, %add3A_297, %add3A_300, %add3A_303, %add3A_306, %add3A_309 : vector<16xi32>, vector<16xi32>, vector<16xi32>, vector<16xi32>, vector<16xi32>, vector<16xi32>, vector<16xi32>, vector<16xi32>, vector<16xi32>, vector<16xi32>, vector<16xi32>, vector<16xi32>, vector<16xi32>, vector<16xi32>, vector<16xi32>
      }
      %scan3A_199 = arith.constant 102 : i32
      %add3A_200 = arith.constant 2 : i32
      %add3A_201 = arith.addi %mul3A_107, %add3A_200 : i32
      %lt3A_202 = arith.constant 32 : i32
      %lt3A_203 = arith.cmpi slt, %add3A_201, %lt3A_202 : i32
      %convert_element_type3A = arith.extui %lt3A_203 : i1 to i32
      %cond3A = arith.constant 0 : i32
      %cond3A_204 = arith.cmpi ne, %convert_element_type3A, %cond3A : i32
      scf.if %cond3A_204 {
        %add3A_235 = arith.constant 2 : i32
        %add3A_236 = arith.addi %mul3A_107, %add3A_235 : i32
        %add3A_237 = arith.addi %mul3A_10, %add3A_236 : i32
        %jit3A_238 = arith.constant 8 : i32
        %div3A_239 = arith.divsi %add3A_237, %jit3A_238 : i32
        %sign3A_240 = arith.constant 0 : i32
        %sign3A_241 = arith.cmpi sgt, %add3A_237, %sign3A_240 : i32
        %sign3A_242 = arith.extui %sign3A_241 : i1 to i32
        %sign3A_243 = arith.constant 0 : i32
        %sign3A_244 = arith.cmpi slt, %add3A_237, %sign3A_243 : i32
        %sign3A_245 = arith.extui %sign3A_244 : i1 to i32
        %sign3A_246 = arith.subi %sign3A_242, %sign3A_245 : i32
        %sign3A_247 = arith.constant 0 : i32
        %sign3A_248 = arith.cmpi sgt, %jit3A_238, %sign3A_247 : i32
        %sign3A_249 = arith.extui %sign3A_248 : i1 to i32
        %sign3A_250 = arith.constant 0 : i32
        %sign3A_251 = arith.cmpi slt, %jit3A_238, %sign3A_250 : i32
        %sign3A_252 = arith.extui %sign3A_251 : i1 to i32
        %sign3A_253 = arith.subi %sign3A_249, %sign3A_252 : i32
        %ne3A_254 = arith.cmpi ne, %sign3A_246, %sign3A_253 : i32
        %rem3A_255 = arith.remsi %add3A_237, %jit3A_238 : i32
        %ne3A_256 = arith.constant 0 : i32
        %ne3A_257 = arith.cmpi ne, %rem3A_255, %ne3A_256 : i32
        %and3A_258 = arith.andi %ne3A_254, %ne3A_257 : i1
        %sub3A_259 = arith.constant 1 : i32
        %sub3A_260 = arith.subi %div3A_239, %sub3A_259 : i32
        %select_n3A_261 = arith.select %and3A_258, %sub3A_260, %div3A_239 : i32
        %mul3A_262 = arith.constant 24 : i32
        %mul3A_263 = arith.muli %select_n3A_261, %mul3A_262 : i32
        %jit3A_264 = arith.constant 8 : i32
        %eq3A_265 = arith.constant 0 : i32
        %eq3A_266 = arith.cmpi eq, %jit3A_264, %eq3A_265 : i32
        %jit3A_267 = arith.constant 1 : i32
        %select_n3A_268 = arith.select %eq3A_266, %jit3A_267, %jit3A_264 : i32
        %rem3A_269 = arith.remsi %add3A_237, %select_n3A_268 : i32
        %ne3A_270 = arith.constant 0 : i32
        %ne3A_271 = arith.cmpi ne, %rem3A_269, %ne3A_270 : i32
        %lt3A_272 = arith.constant 0 : i32
        %lt3A_273 = arith.cmpi slt, %rem3A_269, %lt3A_272 : i32
        %lt3A_274 = arith.constant 0 : i32
        %lt3A_275 = arith.cmpi slt, %select_n3A_268, %lt3A_274 : i32
        %ne3A_276 = arith.xori %lt3A_273, %lt3A_275 : i1
        %and3A_277 = arith.andi %ne3A_276, %ne3A_271 : i1
        %add3A_278 = arith.addi %rem3A_269, %select_n3A_268 : i32
        %select_n3A_279 = arith.select %and3A_277, %add3A_278, %rem3A_269 : i32
        %mul3A_280 = arith.constant 1024 : i32
        %mul3A_281 = arith.muli %select_n3A_279, %mul3A_280 : i32
        %dma_start3A_282 = arith.constant 0 : i32
        %dma_start3A_283 = arith.constant 0 : i32
        %dma_start3A_284 = tpu.memref_slice %arg6[%dma_start3A_282, %dma_start3A_283] : memref<24x1152xi32, #tpu.memory_space<vmem>> -> memref<24x1024xi32, #tpu.memory_space<vmem>>
        %dma_start3A_285 = tpu.memref_slice %arg2[%mul3A_263, %mul3A_281] : memref<3072x8192xi32, #tpu.memory_space<hbm>> -> memref<24x1024xi32, #tpu.memory_space<hbm>>
        %dma_start3A_286 = arith.constant 0 : i32
        %dma_start3A_287 = arith.constant 0 : i32
        %dma_start3A_288 = tpu.memref_slice %arg6[%dma_start3A_286, %dma_start3A_287] : memref<24x1152xi32, #tpu.memory_space<vmem>> -> memref<24x1024xi32, #tpu.memory_space<vmem>>
        %dma_start3A_289 = tpu.memref_slice %arg2[%mul3A_263, %mul3A_281] : memref<3072x8192xi32, #tpu.memory_space<hbm>> -> memref<24x1024xi32, #tpu.memory_space<hbm>>
        tpu.enqueue_dma source(%dma_start3A_289 : memref<24x1024xi32, #tpu.memory_space<hbm>>) target(%dma_start3A_288 : memref<24x1024xi32, #tpu.memory_space<vmem>>) target_semaphore(%arg11 : memref<!tpu.dma_semaphore, #tpu.memory_space<semaphore_mem>>)
        %dma_start3A_290 = arith.constant 0 : i32
        %dma_start3A_291 = arith.constant 1024 : i32
        %dma_start3A_292 = tpu.memref_slice %arg6[%dma_start3A_290, %dma_start3A_291] : memref<24x1152xi32, #tpu.memory_space<vmem>> -> memref<24x128xi32, #tpu.memory_space<vmem>>
        %dma_start3A_293 = tpu.memref_slice %arg2[%mul3A_263, %mul3A_281] : memref<3072x8192xi32, #tpu.memory_space<hbm>> -> memref<24x128xi32, #tpu.memory_space<hbm>>
        %dma_start3A_294 = arith.constant 0 : i32
        %dma_start3A_295 = arith.constant 1024 : i32
        %dma_start3A_296 = tpu.memref_slice %arg6[%dma_start3A_294, %dma_start3A_295] : memref<24x1152xi32, #tpu.memory_space<vmem>> -> memref<24x128xi32, #tpu.memory_space<vmem>>
        %dma_start3A_297 = tpu.memref_slice %arg2[%mul3A_263, %mul3A_281] : memref<3072x8192xi32, #tpu.memory_space<hbm>> -> memref<24x128xi32, #tpu.memory_space<hbm>>
        tpu.enqueue_dma source(%dma_start3A_297 : memref<24x128xi32, #tpu.memory_space<hbm>>) target(%dma_start3A_296 : memref<24x128xi32, #tpu.memory_space<vmem>>) target_semaphore(%arg11 : memref<!tpu.dma_semaphore, #tpu.memory_space<semaphore_mem>>)
      } else {
      }
      %dma_wait3A_205 = arith.constant 0 : i32
      %dma_wait3A_206 = arith.constant 0 : i32
      %dma_wait3A_207 = tpu.memref_slice %arg7[%dma_wait3A_205, %dma_wait3A_206] : memref<24x1152xi32, #tpu.memory_space<vmem>> -> memref<24x1024xi32, #tpu.memory_space<vmem>>
      %dma_wait3A_208 = arith.constant 0 : i32
      %dma_wait3A_209 = arith.constant 0 : i32
      %dma_wait3A_210 = tpu.memref_slice %arg2[%dma_wait3A_208, %dma_wait3A_209] : memref<3072x8192xi32, #tpu.memory_space<hbm>> -> memref<24x1024xi32, #tpu.memory_space<hbm>>
      %dma_wait3A_211 = arith.constant 0 : i32
      %dma_wait3A_212 = arith.constant 0 : i32
      %dma_wait3A_213 = tpu.memref_slice %arg7[%dma_wait3A_211, %dma_wait3A_212] : memref<24x1152xi32, #tpu.memory_space<vmem>> -> memref<24x1024xi32, #tpu.memory_space<vmem>>
      %dma_wait3A_214 = arith.constant 0 : i32
      %dma_wait3A_215 = arith.constant 0 : i32
      %dma_wait3A_216 = tpu.memref_slice %arg2[%dma_wait3A_214, %dma_wait3A_215] : memref<3072x8192xi32, #tpu.memory_space<hbm>> -> memref<24x1024xi32, #tpu.memory_space<hbm>>
      tpu.wait_dma2 semaphore(%arg12 : memref<!tpu.dma_semaphore, #tpu.memory_space<semaphore_mem>>) src(%dma_wait3A_216 : memref<24x1024xi32, #tpu.memory_space<hbm>>) dst(%dma_wait3A_213 : memref<24x1024xi32, #tpu.memory_space<vmem>>)
      %dma_wait3A_217 = arith.constant 0 : i32
      %dma_wait3A_218 = arith.constant 1024 : i32
      %dma_wait3A_219 = tpu.memref_slice %arg7[%dma_wait3A_217, %dma_wait3A_218] : memref<24x1152xi32, #tpu.memory_space<vmem>> -> memref<24x128xi32, #tpu.memory_space<vmem>>
      %dma_wait3A_220 = arith.constant 0 : i32
      %dma_wait3A_221 = arith.constant 0 : i32
      %dma_wait3A_222 = tpu.memref_slice %arg2[%dma_wait3A_220, %dma_wait3A_221] : memref<3072x8192xi32, #tpu.memory_space<hbm>> -> memref<24x128xi32, #tpu.memory_space<hbm>>
      %dma_wait3A_223 = arith.constant 0 : i32
      %dma_wait3A_224 = arith.constant 1024 : i32
      %dma_wait3A_225 = tpu.memref_slice %arg7[%dma_wait3A_223, %dma_wait3A_224] : memref<24x1152xi32, #tpu.memory_space<vmem>> -> memref<24x128xi32, #tpu.memory_space<vmem>>
      %dma_wait3A_226 = arith.constant 0 : i32
      %dma_wait3A_227 = arith.constant 0 : i32
      %dma_wait3A_228 = tpu.memref_slice %arg2[%dma_wait3A_226, %dma_wait3A_227] : memref<3072x8192xi32, #tpu.memory_space<hbm>> -> memref<24x128xi32, #tpu.memory_space<hbm>>
      tpu.wait_dma2 semaphore(%arg12 : memref<!tpu.dma_semaphore, #tpu.memory_space<semaphore_mem>>) src(%dma_wait3A_228 : memref<24x128xi32, #tpu.memory_space<hbm>>) dst(%dma_wait3A_225 : memref<24x128xi32, #tpu.memory_space<vmem>>)
      %scan3A_229 = arith.constant 0 : i32
      %scan3A_230 = arith.constant 102 : i32
      %scan3A_231 = arith.addi %scan3A_229, %scan3A_230 : i32
      %scan3A_232 = arith.constant 1 : i32
      %scan3A_233:15 = scf.for %scan3A_235 = %scan3A_229 to %scan3A_231 step %scan3A_232 iter_args(%scan3A_236 = %get3A_17, %scan3A_237 = %get3A_19, %scan3A_238 = %get3A_21, %scan3A_239 = %get3A_23, %scan3A_240 = %get3A_25, %scan3A_241 = %get3A_27, %scan3A_242 = %get3A_29, %scan3A_243 = %get3A_31, %scan3A_244 = %get3A_33, %scan3A_245 = %get3A_35, %scan3A_246 = %get3A_37, %scan3A_247 = %get3A_39, %scan3A_248 = %get3A_41, %scan3A_249 = %get3A_43, %scan3A_250 = %get3A_45) -> (vector<16xi32>, vector<16xi32>, vector<16xi32>, vector<16xi32>, vector<16xi32>, vector<16xi32>, vector<16xi32>, vector<16xi32>, vector<16xi32>, vector<16xi32>, vector<16xi32>, vector<16xi32>, vector<16xi32>, vector<16xi32>, vector<16xi32>)  : i32 {
        %gather3A = tpu.vector_load_idx %arg7[%get3A_11, %scan3A_236] : memref<24x1152xi32, #tpu.memory_space<vmem>>[vector<16xi32>, vector<16xi32>], vector<16xi32>,
        %gather3A_251 = tpu.vector_load_idx %arg7[%get3A_13, %scan3A_237] : memref<24x1152xi32, #tpu.memory_space<vmem>>[vector<16xi32>, vector<16xi32>], vector<16xi32>,
        %gather3A_252 = tpu.vector_load_idx %arg7[%get3A_15, %scan3A_238] : memref<24x1152xi32, #tpu.memory_space<vmem>>[vector<16xi32>, vector<16xi32>], vector<16xi32>,
        %gather3A_253 = tpu.vector_load_idx %arg7[%get3A_11, %scan3A_239] : memref<24x1152xi32, #tpu.memory_space<vmem>>[vector<16xi32>, vector<16xi32>], vector<16xi32>,
        %gather3A_254 = tpu.vector_load_idx %arg7[%get3A_13, %scan3A_240] : memref<24x1152xi32, #tpu.memory_space<vmem>>[vector<16xi32>, vector<16xi32>], vector<16xi32>,
        %gather3A_255 = tpu.vector_load_idx %arg7[%get3A_15, %scan3A_241] : memref<24x1152xi32, #tpu.memory_space<vmem>>[vector<16xi32>, vector<16xi32>], vector<16xi32>,
        %gather3A_256 = tpu.vector_load_idx %arg7[%get3A_11, %scan3A_242] : memref<24x1152xi32, #tpu.memory_space<vmem>>[vector<16xi32>, vector<16xi32>], vector<16xi32>,
        %gather3A_257 = tpu.vector_load_idx %arg7[%get3A_13, %scan3A_243] : memref<24x1152xi32, #tpu.memory_space<vmem>>[vector<16xi32>, vector<16xi32>], vector<16xi32>,
        %gather3A_258 = tpu.vector_load_idx %arg7[%get3A_15, %scan3A_244] : memref<24x1152xi32, #tpu.memory_space<vmem>>[vector<16xi32>, vector<16xi32>], vector<16xi32>,
        %gather3A_259 = tpu.vector_load_idx %arg7[%get3A_11, %scan3A_245] : memref<24x1152xi32, #tpu.memory_space<vmem>>[vector<16xi32>, vector<16xi32>], vector<16xi32>,
        %gather3A_260 = tpu.vector_load_idx %arg7[%get3A_13, %scan3A_246] : memref<24x1152xi32, #tpu.memory_space<vmem>>[vector<16xi32>, vector<16xi32>], vector<16xi32>,
        %gather3A_261 = tpu.vector_load_idx %arg7[%get3A_15, %scan3A_247] : memref<24x1152xi32, #tpu.memory_space<vmem>>[vector<16xi32>, vector<16xi32>], vector<16xi32>,
        %gather3A_262 = tpu.vector_load_idx %arg7[%get3A_11, %scan3A_248] : memref<24x1152xi32, #tpu.memory_space<vmem>>[vector<16xi32>, vector<16xi32>], vector<16xi32>,
        %gather3A_263 = tpu.vector_load_idx %arg7[%get3A_13, %scan3A_249] : memref<24x1152xi32, #tpu.memory_space<vmem>>[vector<16xi32>, vector<16xi32>], vector<16xi32>,
        %gather3A_264 = tpu.vector_load_idx %arg7[%get3A_15, %scan3A_250] : memref<24x1152xi32, #tpu.memory_space<vmem>>[vector<16xi32>, vector<16xi32>], vector<16xi32>,
        tpu.vector_store_idx %arg10[%gather3A], %broadcast_in_dim3A_8 {add = true} : memref<50176xf32, #tpu.memory_space<vmem>>[vector<16xi32>], vector<16xf32>,
        tpu.vector_store_idx %arg10[%gather3A_251], %broadcast_in_dim3A_8 {add = true} : memref<50176xf32, #tpu.memory_space<vmem>>[vector<16xi32>], vector<16xf32>,
        tpu.vector_store_idx %arg10[%gather3A_252], %broadcast_in_dim3A_8 {add = true} : memref<50176xf32, #tpu.memory_space<vmem>>[vector<16xi32>], vector<16xf32>,
        tpu.vector_store_idx %arg10[%gather3A_253], %broadcast_in_dim3A_8 {add = true} : memref<50176xf32, #tpu.memory_space<vmem>>[vector<16xi32>], vector<16xf32>,
        tpu.vector_store_idx %arg10[%gather3A_254], %broadcast_in_dim3A_8 {add = true} : memref<50176xf32, #tpu.memory_space<vmem>>[vector<16xi32>], vector<16xf32>,
        tpu.vector_store_idx %arg10[%gather3A_255], %broadcast_in_dim3A_8 {add = true} : memref<50176xf32, #tpu.memory_space<vmem>>[vector<16xi32>], vector<16xf32>,
        tpu.vector_store_idx %arg10[%gather3A_256], %broadcast_in_dim3A_8 {add = true} : memref<50176xf32, #tpu.memory_space<vmem>>[vector<16xi32>], vector<16xf32>,
        tpu.vector_store_idx %arg10[%gather3A_257], %broadcast_in_dim3A_8 {add = true} : memref<50176xf32, #tpu.memory_space<vmem>>[vector<16xi32>], vector<16xf32>,
        tpu.vector_store_idx %arg10[%gather3A_258], %broadcast_in_dim3A_8 {add = true} : memref<50176xf32, #tpu.memory_space<vmem>>[vector<16xi32>], vector<16xf32>,
        tpu.vector_store_idx %arg10[%gather3A_259], %broadcast_in_dim3A_8 {add = true} : memref<50176xf32, #tpu.memory_space<vmem>>[vector<16xi32>], vector<16xf32>,
        tpu.vector_store_idx %arg10[%gather3A_260], %broadcast_in_dim3A_8 {add = true} : memref<50176xf32, #tpu.memory_space<vmem>>[vector<16xi32>], vector<16xf32>,
        tpu.vector_store_idx %arg10[%gather3A_261], %broadcast_in_dim3A_8 {add = true} : memref<50176xf32, #tpu.memory_space<vmem>>[vector<16xi32>], vector<16xf32>,
        tpu.vector_store_idx %arg10[%gather3A_262], %broadcast_in_dim3A_8 {add = true} : memref<50176xf32, #tpu.memory_space<vmem>>[vector<16xi32>], vector<16xf32>,
        tpu.vector_store_idx %arg10[%gather3A_263], %broadcast_in_dim3A_8 {add = true} : memref<50176xf32, #tpu.memory_space<vmem>>[vector<16xi32>], vector<16xf32>,
        tpu.vector_store_idx %arg10[%gather3A_264], %broadcast_in_dim3A_8 {add = true} : memref<50176xf32, #tpu.memory_space<vmem>>[vector<16xi32>], vector<16xf32>,
        %add3A_265 = arith.constant 10 : i32
        %add3A_266 = vector.broadcast %add3A_265 : i32 to vector<16xi32>
        %add3A_267 = arith.addi %scan3A_236, %add3A_266 : vector<16xi32>
        %add3A_268 = arith.constant 10 : i32
        %add3A_269 = vector.broadcast %add3A_268 : i32 to vector<16xi32>
        %add3A_270 = arith.addi %scan3A_237, %add3A_269 : vector<16xi32>
        %add3A_271 = arith.constant 10 : i32
        %add3A_272 = vector.broadcast %add3A_271 : i32 to vector<16xi32>
        %add3A_273 = arith.addi %scan3A_238, %add3A_272 : vector<16xi32>
        %add3A_274 = arith.constant 10 : i32
        %add3A_275 = vector.broadcast %add3A_274 : i32 to vector<16xi32>
        %add3A_276 = arith.addi %scan3A_239, %add3A_275 : vector<16xi32>
        %add3A_277 = arith.constant 10 : i32
        %add3A_278 = vector.broadcast %add3A_277 : i32 to vector<16xi32>
        %add3A_279 = arith.addi %scan3A_240, %add3A_278 : vector<16xi32>
        %add3A_280 = arith.constant 10 : i32
        %add3A_281 = vector.broadcast %add3A_280 : i32 to vector<16xi32>
        %add3A_282 = arith.addi %scan3A_241, %add3A_281 : vector<16xi32>
        %add3A_283 = arith.constant 10 : i32
        %add3A_284 = vector.broadcast %add3A_283 : i32 to vector<16xi32>
        %add3A_285 = arith.addi %scan3A_242, %add3A_284 : vector<16xi32>
        %add3A_286 = arith.constant 10 : i32
        %add3A_287 = vector.broadcast %add3A_286 : i32 to vector<16xi32>
        %add3A_288 = arith.addi %scan3A_243, %add3A_287 : vector<16xi32>
        %add3A_289 = arith.constant 10 : i32
        %add3A_290 = vector.broadcast %add3A_289 : i32 to vector<16xi32>
        %add3A_291 = arith.addi %scan3A_244, %add3A_290 : vector<16xi32>
        %add3A_292 = arith.constant 10 : i32
        %add3A_293 = vector.broadcast %add3A_292 : i32 to vector<16xi32>
        %add3A_294 = arith.addi %scan3A_245, %add3A_293 : vector<16xi32>
        %add3A_295 = arith.constant 10 : i32
        %add3A_296 = vector.broadcast %add3A_295 : i32 to vector<16xi32>
        %add3A_297 = arith.addi %scan3A_246, %add3A_296 : vector<16xi32>
        %add3A_298 = arith.constant 10 : i32
        %add3A_299 = vector.broadcast %add3A_298 : i32 to vector<16xi32>
        %add3A_300 = arith.addi %scan3A_247, %add3A_299 : vector<16xi32>
        %add3A_301 = arith.constant 10 : i32
        %add3A_302 = vector.broadcast %add3A_301 : i32 to vector<16xi32>
        %add3A_303 = arith.addi %scan3A_248, %add3A_302 : vector<16xi32>
        %add3A_304 = arith.constant 10 : i32
        %add3A_305 = vector.broadcast %add3A_304 : i32 to vector<16xi32>
        %add3A_306 = arith.addi %scan3A_249, %add3A_305 : vector<16xi32>
        %add3A_307 = arith.constant 10 : i32
        %add3A_308 = vector.broadcast %add3A_307 : i32 to vector<16xi32>
        %add3A_309 = arith.addi %scan3A_250, %add3A_308 : vector<16xi32>
        scf.yield %add3A_267, %add3A_270, %add3A_273, %add3A_276, %add3A_279, %add3A_282, %add3A_285, %add3A_288, %add3A_291, %add3A_294, %add3A_297, %add3A_300, %add3A_303, %add3A_306, %add3A_309 : vector<16xi32>, vector<16xi32>, vector<16xi32>, vector<16xi32>, vector<16xi32>, vector<16xi32>, vector<16xi32>, vector<16xi32>, vector<16xi32>, vector<16xi32>, vector<16xi32>, vector<16xi32>, vector<16xi32>, vector<16xi32>, vector<16xi32>
      }
      %scan3A_234 = arith.constant 102 : i32
    }
    %scan3A_102 = arith.constant 16 : i32
    %mul3A_103 = arith.constant 50176 : i32
    %mul3A_104 = arith.muli %add3A, %mul3A_103 : i32
    "tpu.region"() ({
      %run_scoped3A = tpu.sem_alloc : memref<!tpu.dma_semaphore, #tpu.memory_space<semaphore_mem>>
      %dma_start3A_105 = tpu.memref_slice %arg5[%mul3A_104] : memref<1605632xf32, #tpu.memory_space<hbm>> -> memref<50176xf32, #tpu.memory_space<hbm>>
      %dma_start3A_106 = tpu.memref_slice %arg5[%mul3A_104] : memref<1605632xf32, #tpu.memory_space<hbm>> -> memref<50176xf32, #tpu.memory_space<hbm>>
      tpu.enqueue_dma source(%arg10 : memref<50176xf32, #tpu.memory_space<vmem>>) target(%dma_start3A_106 : memref<50176xf32, #tpu.memory_space<hbm>>) target_semaphore(%run_scoped3A : memref<!tpu.dma_semaphore, #tpu.memory_space<semaphore_mem>>)
      %dma_wait3A = tpu.memref_slice %arg5[%mul3A_104] : memref<1605632xf32, #tpu.memory_space<hbm>> -> memref<50176xf32, #tpu.memory_space<hbm>>
      %dma_wait3A_107 = tpu.memref_slice %arg5[%mul3A_104] : memref<1605632xf32, #tpu.memory_space<hbm>> -> memref<50176xf32, #tpu.memory_space<hbm>>
      tpu.wait_dma2 semaphore(%run_scoped3A : memref<!tpu.dma_semaphore, #tpu.memory_space<semaphore_mem>>) src(%arg10 : memref<50176xf32, #tpu.memory_space<vmem>>) dst(%dma_wait3A_107 : memref<50176xf32, #tpu.memory_space<hbm>>)
      tpu.yield
    }) : () -> ()
    return
  }
}

module attributes {stable_mosaic.version = 14 : i64} {
  func.func @_bins_body(%arg0: i32, %arg1: i32, %arg2: memref<1x21x16x512xf32, #tpu.memory_space<vmem>>, %arg3: memref<1x16x512xi32, #tpu.memory_space<vmem>>, %arg4: memref<24x8192xi32, #tpu.memory_space<vmem>>) attributes {dimension_semantics = [#tpu.dimension_semantics<arbitrary>, #tpu.dimension_semantics<arbitrary>], iteration_bounds = array<i64: 4, 32>, scalar_prefetch = 0 : i64, scratch_operands = 0 : i64, tpu.core_type = #tpu.core_type<tc>, window_params = [{transform_indices = @transform_0, window_bounds = array<i64: 1, 21, 16, 512>}, {transform_indices = @transform_1, window_bounds = array<i64: 1, 16, 512>}, {transform_indices = @transform_2, window_bounds = array<i64: 24, 8192>}]} {
    %get3A = arith.constant 0 : index
    %get3A_0 = arith.constant 0 : index
    %get3A_1 = arith.constant 0 : index
    %get3A_2 = arith.constant 0 : index
    %get3A_3 = vector.load %arg2[%get3A, %get3A_0, %get3A_1, %get3A_2] : memref<1x21x16x512xf32, #tpu.memory_space<vmem>>, vector<1x21x16x512xf32>
    %get3A_4 = vector.shape_cast %get3A_3 : vector<1x21x16x512xf32> to vector<21x16x512xf32>
    %get3A_5 = arith.constant 0 : index
    %get3A_6 = arith.constant 0 : index
    %get3A_7 = arith.constant 0 : index
    %get3A_8 = vector.load %arg3[%get3A_5, %get3A_6, %get3A_7] : memref<1x16x512xi32, #tpu.memory_space<vmem>>, vector<1x16x512xi32>
    %reduce_max3A = arith.constant dense<0xFF800000> : vector<16x512xf32>
    %reduce_max3A_9 = vector.multi_reduction <maximumf>, %get3A_4, %reduce_max3A [0] : vector<21x16x512xf32> to vector<16x512xf32>
    %broadcast_in_dim3A = vector.shape_cast %reduce_max3A_9 : vector<16x512xf32> to vector<1x16x512xf32>
    %sub3A = vector.broadcast %broadcast_in_dim3A : vector<1x16x512xf32> to vector<21x16x512xf32>
    %sub3A_10 = arith.subf %get3A_4, %sub3A : vector<21x16x512xf32>
    %exp3A = math.exp %sub3A_10 : vector<21x16x512xf32>
    %reduce_sum3A = arith.constant dense<0.000000e+00> : vector<16x512xf32>
    %reduce_sum3A_11 = vector.multi_reduction <add>, %exp3A, %reduce_sum3A [0] : vector<21x16x512xf32> to vector<16x512xf32>
    %broadcast_in_dim3A_12 = vector.shape_cast %reduce_sum3A_11 : vector<16x512xf32> to vector<1x16x512xf32>
    %div3A = vector.broadcast %broadcast_in_dim3A_12 : vector<1x16x512xf32> to vector<21x16x512xf32>
    %div3A_13 = arith.divf %exp3A, %div3A : vector<21x16x512xf32>
    %mul3A = arith.constant 1.024000e+03 : f32
    %mul3A_14 = vector.broadcast %mul3A : f32 to vector<21x16x512xf32>
    %mul3A_15 = arith.mulf %div3A_13, %mul3A_14 : vector<21x16x512xf32>
    %convert_element_type3A = arith.fptosi %mul3A_15 : vector<21x16x512xf32> to vector<21x16x512xi32>
    %min3A = arith.constant 1023 : i32
    %min3A_16 = vector.broadcast %min3A : i32 to vector<21x16x512xi32>
    %min3A_17 = arith.minsi %convert_element_type3A, %min3A_16 : vector<21x16x512xi32>
    %sub3A_18 = arith.constant 1.000000e+00 : f32
    %sub3A_19 = vector.broadcast %sub3A_18 : f32 to vector<21x16x512xf32>
    %sub3A_20 = arith.subf %sub3A_19, %div3A_13 : vector<21x16x512xf32>
    %mul3A_21 = arith.constant 1.024000e+03 : f32
    %mul3A_22 = vector.broadcast %mul3A_21 : f32 to vector<21x16x512xf32>
    %mul3A_23 = arith.mulf %sub3A_20, %mul3A_22 : vector<21x16x512xf32>
    %convert_element_type3A_24 = arith.fptosi %mul3A_23 : vector<21x16x512xf32> to vector<21x16x512xi32>
    %min3A_25 = arith.constant 1023 : i32
    %min3A_26 = vector.broadcast %min3A_25 : i32 to vector<21x16x512xi32>
    %min3A_27 = arith.minsi %convert_element_type3A_24, %min3A_26 : vector<21x16x512xi32>
    %iota3A = tpu.iota {dimensions = array<i32: 0>} : vector<21x16x512xi32>
    %eq3A = vector.broadcast %get3A_8 : vector<1x16x512xi32> to vector<21x16x512xi32>
    %eq3A_28 = arith.cmpi eq, %eq3A, %iota3A : vector<21x16x512xi32>
    %mul3A_29 = arith.constant 1024 : i32
    %mul3A_30 = vector.broadcast %mul3A_29 : i32 to vector<21x16x512xi32>
    %mul3A_31 = arith.muli %iota3A, %mul3A_30 : vector<21x16x512xi32>
    %add3A = arith.constant 24576 : i32
    %add3A_32 = vector.broadcast %add3A : i32 to vector<21x16x512xi32>
    %add3A_33 = arith.addi %add3A_32, %min3A_27 : vector<21x16x512xi32>
    %select_n3A = arith.select %eq3A_28, %add3A_33, %min3A_17 : vector<21x16x512xi1>, vector<21x16x512xi32>
    %add3A_34 = arith.addi %mul3A_31, %select_n3A : vector<21x16x512xi32>
    %iota3A_35 = tpu.iota {dimensions = array<i32: 0>} : vector<3x8192xi32>
    %add3A_36 = arith.constant 21 : i32
    %add3A_37 = vector.broadcast %add3A_36 : i32 to vector<3x8192xi32>
    %add3A_38 = arith.addi %iota3A_35, %add3A_37 : vector<3x8192xi32>
    %iota3A_39 = tpu.iota {dimensions = array<i32: 1>} : vector<3x8192xi32>
    %mul3A_40 = arith.constant 8 : i32
    %mul3A_41 = vector.broadcast %mul3A_40 : i32 to vector<3x8192xi32>
    %mul3A_42 = arith.muli %mul3A_41, %iota3A_39 : vector<3x8192xi32>
    %add3A_43 = arith.addi %add3A_38, %mul3A_42 : vector<3x8192xi32>
    %and3A = arith.constant 15 : i32
    %and3A_44 = vector.broadcast %and3A : i32 to vector<3x8192xi32>
    %and3A_45 = arith.andi %add3A_43, %and3A_44 : vector<3x8192xi32>
    %add3A_46 = arith.constant 49152 : i32
    %add3A_47 = vector.broadcast %add3A_46 : i32 to vector<3x8192xi32>
    %add3A_48 = arith.addi %add3A_47, %and3A_45 : vector<3x8192xi32>
    %reshape3A = vector.shape_cast %add3A_34 : vector<21x16x512xi32> to vector<21x8192xi32>
    %concatenate3A = tpu.concatenate %reshape3A, %add3A_48 in 0 : vector<21x8192xi32>, vector<3x8192xi32> -> vector<24x8192xi32>
    %swap3A = arith.constant 0 : index
    %swap3A_49 = arith.constant 0 : index
    %swap3A_50 = vector.load %arg4[%swap3A, %swap3A_49] : memref<24x8192xi32, #tpu.memory_space<vmem>>, vector<24x8192xi32>
    tpu.vector_store %arg4[%swap3A, %swap3A_49], %concatenate3A {strides = array<i32>} : memref<24x8192xi32, #tpu.memory_space<vmem>>, vector<24x8192xi32>,
    return
  }
  func.func @transform_0(%arg0: i32, %arg1: i32) -> (i32, i32, i32, i32) {
    %c0_i32 = arith.constant 0 : i32
    %c0_i32_0 = arith.constant 0 : i32
    %c0_i32_1 = arith.constant 0 : i32
    return %arg0, %c0_i32, %arg1, %c0_i32_0 : i32, i32, i32, i32
  }
  func.func @transform_1(%arg0: i32, %arg1: i32) -> (i32, i32, i32) {
    %c0_i32 = arith.constant 0 : i32
    %c0_i32_0 = arith.constant 0 : i32
    return %arg0, %arg1, %c0_i32 : i32, i32, i32
  }
  func.func @transform_2(%arg0: i32, %arg1: i32) -> (i32, i32) {
    %mul3A = arith.constant 32 : i32
    %mul3A_0 = arith.muli %arg0, %mul3A : i32
    %add3A = arith.addi %mul3A_0, %arg1 : i32
    %c0_i32 = arith.constant 0 : i32
    %c0_i32_1 = arith.constant 0 : i32
    return %add3A, %c0_i32 : i32, i32
  }
}

module attributes {stable_mosaic.version = 14 : i64} {
  func.func @_fin_body(%arg0: memref<1568x1024xf32, #tpu.memory_space<vmem>>, %arg1: memref<1x1xf32, #tpu.memory_space<vmem>>) attributes {dimension_semantics = [], scalar_prefetch = 0 : i64, scratch_operands = 0 : i64, tpu.core_type = #tpu.core_type<tc>} {
    %get3A = arith.constant 0 : index
    %get3A_0 = arith.constant 0 : index
    %get3A_1 = vector.load %arg0[%get3A, %get3A_0] : memref<1568x1024xf32, #tpu.memory_space<vmem>>, vector<1568x1024xf32>
    %reshape3A = vector.shape_cast %get3A_1 : vector<1568x1024xf32> to vector<32x49x1024xf32>
    %reduce_sum3A = arith.constant dense<0.000000e+00> : vector<49x1024xf32>
    %reduce_sum3A_2 = vector.multi_reduction <add>, %reshape3A, %reduce_sum3A [0] : vector<32x49x1024xf32> to vector<49x1024xf32>
    %slice3A = vector.extract_strided_slice %reduce_sum3A_2 {offsets = [0, 0], sizes = [24, 1024], strides = [1, 1]} : vector<49x1024xf32> to vector<24x1024xf32>
    %slice3A_3 = vector.extract_strided_slice %reduce_sum3A_2 {offsets = [24, 0], sizes = [24, 1024], strides = [1, 1]} : vector<49x1024xf32> to vector<24x1024xf32>
    %add3A = arith.addf %slice3A, %slice3A_3 : vector<24x1024xf32>
    %reduce_sum3A_4 = arith.constant dense<0.000000e+00> : vector<24xf32>
    %reduce_sum3A_5 = vector.multi_reduction <add>, %slice3A_3, %reduce_sum3A_4 [1] : vector<24x1024xf32> to vector<24xf32>
    %broadcast_in_dim3A = vector.shape_cast %reduce_sum3A_5 : vector<24xf32> to vector<24x1xf32>
    %reduce_sum3A_6 = arith.constant dense<0.000000e+00> : vector<24xf32>
    %reduce_sum3A_7 = vector.multi_reduction <add>, %add3A, %reduce_sum3A_6 [1] : vector<24x1024xf32> to vector<24xf32>
    %broadcast_in_dim3A_8 = vector.shape_cast %reduce_sum3A_7 : vector<24xf32> to vector<24x1xf32>
    %broadcast_in_dim3A_9 = arith.constant 0.000000e+00 : f32
    %broadcast_in_dim3A_10 = vector.broadcast %broadcast_in_dim3A_9 : f32 to vector<24x1xf32>
    %slice3A_11 = vector.extract_strided_slice %add3A {offsets = [0, 0], sizes = [24, 1023], strides = [1, 1]} : vector<24x1024xf32> to vector<24x1023xf32>
    %concatenate3A = tpu.concatenate %broadcast_in_dim3A_10, %slice3A_11 in 1 : vector<24x1xf32>, vector<24x1023xf32> -> vector<24x1024xf32>
    %add3A_12 = arith.addf %add3A, %concatenate3A : vector<24x1024xf32>
    %broadcast_in_dim3A_13 = arith.constant 0.000000e+00 : f32
    %broadcast_in_dim3A_14 = vector.broadcast %broadcast_in_dim3A_13 : f32 to vector<24x2xf32>
    %slice3A_15 = vector.extract_strided_slice %add3A_12 {offsets = [0, 0], sizes = [24, 1022], strides = [1, 1]} : vector<24x1024xf32> to vector<24x1022xf32>
    %concatenate3A_16 = tpu.concatenate %broadcast_in_dim3A_14, %slice3A_15 in 1 : vector<24x2xf32>, vector<24x1022xf32> -> vector<24x1024xf32>
    %add3A_17 = arith.addf %add3A_12, %concatenate3A_16 : vector<24x1024xf32>
    %broadcast_in_dim3A_18 = arith.constant 0.000000e+00 : f32
    %broadcast_in_dim3A_19 = vector.broadcast %broadcast_in_dim3A_18 : f32 to vector<24x4xf32>
    %slice3A_20 = vector.extract_strided_slice %add3A_17 {offsets = [0, 0], sizes = [24, 1020], strides = [1, 1]} : vector<24x1024xf32> to vector<24x1020xf32>
    %concatenate3A_21 = tpu.concatenate %broadcast_in_dim3A_19, %slice3A_20 in 1 : vector<24x4xf32>, vector<24x1020xf32> -> vector<24x1024xf32>
    %add3A_22 = arith.addf %add3A_17, %concatenate3A_21 : vector<24x1024xf32>
    %broadcast_in_dim3A_23 = arith.constant 0.000000e+00 : f32
    %broadcast_in_dim3A_24 = vector.broadcast %broadcast_in_dim3A_23 : f32 to vector<24x8xf32>
    %slice3A_25 = vector.extract_strided_slice %add3A_22 {offsets = [0, 0], sizes = [24, 1016], strides = [1, 1]} : vector<24x1024xf32> to vector<24x1016xf32>
    %concatenate3A_26 = tpu.concatenate %broadcast_in_dim3A_24, %slice3A_25 in 1 : vector<24x8xf32>, vector<24x1016xf32> -> vector<24x1024xf32>
    %add3A_27 = arith.addf %add3A_22, %concatenate3A_26 : vector<24x1024xf32>
    %broadcast_in_dim3A_28 = arith.constant 0.000000e+00 : f32
    %broadcast_in_dim3A_29 = vector.broadcast %broadcast_in_dim3A_28 : f32 to vector<24x16xf32>
    %slice3A_30 = vector.extract_strided_slice %add3A_27 {offsets = [0, 0], sizes = [24, 1008], strides = [1, 1]} : vector<24x1024xf32> to vector<24x1008xf32>
    %concatenate3A_31 = tpu.concatenate %broadcast_in_dim3A_29, %slice3A_30 in 1 : vector<24x16xf32>, vector<24x1008xf32> -> vector<24x1024xf32>
    %add3A_32 = arith.addf %add3A_27, %concatenate3A_31 : vector<24x1024xf32>
    %broadcast_in_dim3A_33 = arith.constant 0.000000e+00 : f32
    %broadcast_in_dim3A_34 = vector.broadcast %broadcast_in_dim3A_33 : f32 to vector<24x32xf32>
    %slice3A_35 = vector.extract_strided_slice %add3A_32 {offsets = [0, 0], sizes = [24, 992], strides = [1, 1]} : vector<24x1024xf32> to vector<24x992xf32>
    %concatenate3A_36 = tpu.concatenate %broadcast_in_dim3A_34, %slice3A_35 in 1 : vector<24x32xf32>, vector<24x992xf32> -> vector<24x1024xf32>
    %add3A_37 = arith.addf %add3A_32, %concatenate3A_36 : vector<24x1024xf32>
    %broadcast_in_dim3A_38 = arith.constant 0.000000e+00 : f32
    %broadcast_in_dim3A_39 = vector.broadcast %broadcast_in_dim3A_38 : f32 to vector<24x64xf32>
    %slice3A_40 = vector.extract_strided_slice %add3A_37 {offsets = [0, 0], sizes = [24, 960], strides = [1, 1]} : vector<24x1024xf32> to vector<24x960xf32>
    %concatenate3A_41 = tpu.concatenate %broadcast_in_dim3A_39, %slice3A_40 in 1 : vector<24x64xf32>, vector<24x960xf32> -> vector<24x1024xf32>
    %add3A_42 = arith.addf %add3A_37, %concatenate3A_41 : vector<24x1024xf32>
    %broadcast_in_dim3A_43 = arith.constant 0.000000e+00 : f32
    %broadcast_in_dim3A_44 = vector.broadcast %broadcast_in_dim3A_43 : f32 to vector<24x128xf32>
    %slice3A_45 = vector.extract_strided_slice %add3A_42 {offsets = [0, 0], sizes = [24, 896], strides = [1, 1]} : vector<24x1024xf32> to vector<24x896xf32>
    %concatenate3A_46 = tpu.concatenate %broadcast_in_dim3A_44, %slice3A_45 in 1 : vector<24x128xf32>, vector<24x896xf32> -> vector<24x1024xf32>
    %add3A_47 = arith.addf %add3A_42, %concatenate3A_46 : vector<24x1024xf32>
    %broadcast_in_dim3A_48 = arith.constant 0.000000e+00 : f32
    %broadcast_in_dim3A_49 = vector.broadcast %broadcast_in_dim3A_48 : f32 to vector<24x256xf32>
    %slice3A_50 = vector.extract_strided_slice %add3A_47 {offsets = [0, 0], sizes = [24, 768], strides = [1, 1]} : vector<24x1024xf32> to vector<24x768xf32>
    %concatenate3A_51 = tpu.concatenate %broadcast_in_dim3A_49, %slice3A_50 in 1 : vector<24x256xf32>, vector<24x768xf32> -> vector<24x1024xf32>
    %add3A_52 = arith.addf %add3A_47, %concatenate3A_51 : vector<24x1024xf32>
    %broadcast_in_dim3A_53 = arith.constant 0.000000e+00 : f32
    %broadcast_in_dim3A_54 = vector.broadcast %broadcast_in_dim3A_53 : f32 to vector<24x512xf32>
    %slice3A_55 = vector.extract_strided_slice %add3A_52 {offsets = [0, 0], sizes = [24, 512], strides = [1, 1]} : vector<24x1024xf32> to vector<24x512xf32>
    %concatenate3A_56 = tpu.concatenate %broadcast_in_dim3A_54, %slice3A_55 in 1 : vector<24x512xf32>, vector<24x512xf32> -> vector<24x1024xf32>
    %add3A_57 = arith.addf %add3A_52, %concatenate3A_56 : vector<24x1024xf32>
    %broadcast_in_dim3A_58 = arith.constant 0.000000e+00 : f32
    %broadcast_in_dim3A_59 = vector.broadcast %broadcast_in_dim3A_58 : f32 to vector<24x1xf32>
    %slice3A_60 = vector.extract_strided_slice %slice3A_3 {offsets = [0, 0], sizes = [24, 1023], strides = [1, 1]} : vector<24x1024xf32> to vector<24x1023xf32>
    %concatenate3A_61 = tpu.concatenate %broadcast_in_dim3A_59, %slice3A_60 in 1 : vector<24x1xf32>, vector<24x1023xf32> -> vector<24x1024xf32>
    %add3A_62 = arith.addf %slice3A_3, %concatenate3A_61 : vector<24x1024xf32>
    %broadcast_in_dim3A_63 = arith.constant 0.000000e+00 : f32
    %broadcast_in_dim3A_64 = vector.broadcast %broadcast_in_dim3A_63 : f32 to vector<24x2xf32>
    %slice3A_65 = vector.extract_strided_slice %add3A_62 {offsets = [0, 0], sizes = [24, 1022], strides = [1, 1]} : vector<24x1024xf32> to vector<24x1022xf32>
    %concatenate3A_66 = tpu.concatenate %broadcast_in_dim3A_64, %slice3A_65 in 1 : vector<24x2xf32>, vector<24x1022xf32> -> vector<24x1024xf32>
    %add3A_67 = arith.addf %add3A_62, %concatenate3A_66 : vector<24x1024xf32>
    %broadcast_in_dim3A_68 = arith.constant 0.000000e+00 : f32
    %broadcast_in_dim3A_69 = vector.broadcast %broadcast_in_dim3A_68 : f32 to vector<24x4xf32>
    %slice3A_70 = vector.extract_strided_slice %add3A_67 {offsets = [0, 0], sizes = [24, 1020], strides = [1, 1]} : vector<24x1024xf32> to vector<24x1020xf32>
    %concatenate3A_71 = tpu.concatenate %broadcast_in_dim3A_69, %slice3A_70 in 1 : vector<24x4xf32>, vector<24x1020xf32> -> vector<24x1024xf32>
    %add3A_72 = arith.addf %add3A_67, %concatenate3A_71 : vector<24x1024xf32>
    %broadcast_in_dim3A_73 = arith.constant 0.000000e+00 : f32
    %broadcast_in_dim3A_74 = vector.broadcast %broadcast_in_dim3A_73 : f32 to vector<24x8xf32>
    %slice3A_75 = vector.extract_strided_slice %add3A_72 {offsets = [0, 0], sizes = [24, 1016], strides = [1, 1]} : vector<24x1024xf32> to vector<24x1016xf32>
    %concatenate3A_76 = tpu.concatenate %broadcast_in_dim3A_74, %slice3A_75 in 1 : vector<24x8xf32>, vector<24x1016xf32> -> vector<24x1024xf32>
    %add3A_77 = arith.addf %add3A_72, %concatenate3A_76 : vector<24x1024xf32>
    %broadcast_in_dim3A_78 = arith.constant 0.000000e+00 : f32
    %broadcast_in_dim3A_79 = vector.broadcast %broadcast_in_dim3A_78 : f32 to vector<24x16xf32>
    %slice3A_80 = vector.extract_strided_slice %add3A_77 {offsets = [0, 0], sizes = [24, 1008], strides = [1, 1]} : vector<24x1024xf32> to vector<24x1008xf32>
    %concatenate3A_81 = tpu.concatenate %broadcast_in_dim3A_79, %slice3A_80 in 1 : vector<24x16xf32>, vector<24x1008xf32> -> vector<24x1024xf32>
    %add3A_82 = arith.addf %add3A_77, %concatenate3A_81 : vector<24x1024xf32>
    %broadcast_in_dim3A_83 = arith.constant 0.000000e+00 : f32
    %broadcast_in_dim3A_84 = vector.broadcast %broadcast_in_dim3A_83 : f32 to vector<24x32xf32>
    %slice3A_85 = vector.extract_strided_slice %add3A_82 {offsets = [0, 0], sizes = [24, 992], strides = [1, 1]} : vector<24x1024xf32> to vector<24x992xf32>
    %concatenate3A_86 = tpu.concatenate %broadcast_in_dim3A_84, %slice3A_85 in 1 : vector<24x32xf32>, vector<24x992xf32> -> vector<24x1024xf32>
    %add3A_87 = arith.addf %add3A_82, %concatenate3A_86 : vector<24x1024xf32>
    %broadcast_in_dim3A_88 = arith.constant 0.000000e+00 : f32
    %broadcast_in_dim3A_89 = vector.broadcast %broadcast_in_dim3A_88 : f32 to vector<24x64xf32>
    %slice3A_90 = vector.extract_strided_slice %add3A_87 {offsets = [0, 0], sizes = [24, 960], strides = [1, 1]} : vector<24x1024xf32> to vector<24x960xf32>
    %concatenate3A_91 = tpu.concatenate %broadcast_in_dim3A_89, %slice3A_90 in 1 : vector<24x64xf32>, vector<24x960xf32> -> vector<24x1024xf32>
    %add3A_92 = arith.addf %add3A_87, %concatenate3A_91 : vector<24x1024xf32>
    %broadcast_in_dim3A_93 = arith.constant 0.000000e+00 : f32
    %broadcast_in_dim3A_94 = vector.broadcast %broadcast_in_dim3A_93 : f32 to vector<24x128xf32>
    %slice3A_95 = vector.extract_strided_slice %add3A_92 {offsets = [0, 0], sizes = [24, 896], strides = [1, 1]} : vector<24x1024xf32> to vector<24x896xf32>
    %concatenate3A_96 = tpu.concatenate %broadcast_in_dim3A_94, %slice3A_95 in 1 : vector<24x128xf32>, vector<24x896xf32> -> vector<24x1024xf32>
    %add3A_97 = arith.addf %add3A_92, %concatenate3A_96 : vector<24x1024xf32>
    %broadcast_in_dim3A_98 = arith.constant 0.000000e+00 : f32
    %broadcast_in_dim3A_99 = vector.broadcast %broadcast_in_dim3A_98 : f32 to vector<24x256xf32>
    %slice3A_100 = vector.extract_strided_slice %add3A_97 {offsets = [0, 0], sizes = [24, 768], strides = [1, 1]} : vector<24x1024xf32> to vector<24x768xf32>
    %concatenate3A_101 = tpu.concatenate %broadcast_in_dim3A_99, %slice3A_100 in 1 : vector<24x256xf32>, vector<24x768xf32> -> vector<24x1024xf32>
    %add3A_102 = arith.addf %add3A_97, %concatenate3A_101 : vector<24x1024xf32>
    %broadcast_in_dim3A_103 = arith.constant 0.000000e+00 : f32
    %broadcast_in_dim3A_104 = vector.broadcast %broadcast_in_dim3A_103 : f32 to vector<24x512xf32>
    %slice3A_105 = vector.extract_strided_slice %add3A_102 {offsets = [0, 0], sizes = [24, 512], strides = [1, 1]} : vector<24x1024xf32> to vector<24x512xf32>
    %concatenate3A_106 = tpu.concatenate %broadcast_in_dim3A_104, %slice3A_105 in 1 : vector<24x512xf32>, vector<24x512xf32> -> vector<24x1024xf32>
    %add3A_107 = arith.addf %add3A_102, %concatenate3A_106 : vector<24x1024xf32>
    %sub3A = vector.broadcast %broadcast_in_dim3A_8 : vector<24x1xf32> to vector<24x1024xf32>
    %sub3A_108 = arith.subf %sub3A, %add3A_57 : vector<24x1024xf32>
    %sub3A_109 = vector.broadcast %broadcast_in_dim3A : vector<24x1xf32> to vector<24x1024xf32>
    %sub3A_110 = arith.subf %sub3A_109, %add3A_107 : vector<24x1024xf32>
    %add3A_111 = arith.addf %sub3A_108, %add3A : vector<24x1024xf32>
    %add3A_112 = arith.addf %sub3A_110, %slice3A_3 : vector<24x1024xf32>
    %iota3A = tpu.iota {dimensions = array<i32: 1>} : vector<24x1024xi32>
    %convert_element_type3A = arith.sitofp %iota3A : vector<24x1024xi32> to vector<24x1024xf32>
    %add3A_113 = arith.constant 5.000000e-01 : f32
    %add3A_114 = vector.broadcast %add3A_113 : f32 to vector<24x1024xf32>
    %add3A_115 = arith.addf %convert_element_type3A, %add3A_114 : vector<24x1024xf32>
    %mul3A = arith.constant 9.765625E-4 : f32
    %mul3A_116 = vector.broadcast %mul3A : f32 to vector<24x1024xf32>
    %mul3A_117 = arith.mulf %add3A_115, %mul3A_116 : vector<24x1024xf32>
    %sub3A_118 = vector.broadcast %broadcast_in_dim3A : vector<24x1xf32> to vector<24x1024xf32>
    %sub3A_119 = arith.subf %sub3A_118, %add3A_112 : vector<24x1024xf32>
    %add3A_120 = vector.broadcast %broadcast_in_dim3A : vector<24x1xf32> to vector<24x1024xf32>
    %add3A_121 = arith.addf %add3A_120, %add3A_111 : vector<24x1024xf32>
    %sub3A_122 = arith.subf %add3A_121, %add3A_112 : vector<24x1024xf32>
    %max3A = arith.constant 1.000000e+00 : f32
    %max3A_123 = vector.broadcast %max3A : f32 to vector<24x1024xf32>
    %max3A_124 = arith.maximumf %sub3A_122, %max3A_123 : vector<24x1024xf32>
    %div3A = arith.divf %sub3A_119, %max3A_124 : vector<24x1024xf32>
    %sub3A_125 = arith.constant 1.000000e+00 : f32
    %sub3A_126 = vector.broadcast %sub3A_125 : f32 to vector<24x1024xf32>
    %sub3A_127 = arith.subf %sub3A_126, %div3A : vector<24x1024xf32>
    %sub3A_128 = vector.broadcast %broadcast_in_dim3A : vector<24x1xf32> to vector<24x1024xf32>
    %sub3A_129 = arith.subf %sub3A_128, %sub3A_110 : vector<24x1024xf32>
    %add3A_130 = vector.broadcast %broadcast_in_dim3A : vector<24x1xf32> to vector<24x1024xf32>
    %add3A_131 = arith.addf %add3A_130, %sub3A_108 : vector<24x1024xf32>
    %sub3A_132 = arith.subf %add3A_131, %sub3A_110 : vector<24x1024xf32>
    %max3A_133 = arith.constant 1.000000e+00 : f32
    %max3A_134 = vector.broadcast %max3A_133 : f32 to vector<24x1024xf32>
    %max3A_135 = arith.maximumf %sub3A_132, %max3A_134 : vector<24x1024xf32>
    %div3A_136 = arith.divf %sub3A_129, %max3A_135 : vector<24x1024xf32>
    %sub3A_137 = arith.constant 1.000000e+00 : f32
    %sub3A_138 = vector.broadcast %sub3A_137 : f32 to vector<24x1024xf32>
    %sub3A_139 = arith.subf %sub3A_138, %div3A_136 : vector<24x1024xf32>
    %sub3A_140 = arith.subf %sub3A_127, %sub3A_139 : vector<24x1024xf32>
    %mul3A_141 = arith.mulf %mul3A_117, %sub3A_140 : vector<24x1024xf32>
    %reduce_sum3A_142 = arith.constant dense<0.000000e+00> : vector<24xf32>
    %reduce_sum3A_143 = vector.multi_reduction <add>, %mul3A_141, %reduce_sum3A_142 [1] : vector<24x1024xf32> to vector<24xf32>
    %broadcast_in_dim3A_144 = vector.shape_cast %reduce_sum3A_143 : vector<24xf32> to vector<24x1xf32>
    %gt3A = arith.constant 0.000000e+00 : f32
    %gt3A_145 = vector.broadcast %gt3A : f32 to vector<24x1xf32>
    %gt3A_146 = arith.cmpf ogt, %broadcast_in_dim3A, %gt3A_145 : vector<24x1xf32>
    %convert_element_type3A_147 = arith.extui %gt3A_146 : vector<24x1xi1> to vector<24x1xi32>
    %convert_element_type3A_148 = arith.sitofp %convert_element_type3A_147 : vector<24x1xi32> to vector<24x1xf32>
    %mul3A_149 = arith.mulf %broadcast_in_dim3A_144, %convert_element_type3A_148 : vector<24x1xf32>
    %reduce_sum3A_150 = arith.constant dense<0.000000e+00> : vector<1xf32>
    %reduce_sum3A_151 = vector.multi_reduction <add>, %mul3A_149, %reduce_sum3A_150 [0] : vector<24x1xf32> to vector<1xf32>
    %broadcast_in_dim3A_152 = vector.shape_cast %reduce_sum3A_151 : vector<1xf32> to vector<1x1xf32>
    %reduce_sum3A_153 = arith.constant dense<0.000000e+00> : vector<1xf32>
    %reduce_sum3A_154 = vector.multi_reduction <add>, %convert_element_type3A_148, %reduce_sum3A_153 [0] : vector<24x1xf32> to vector<1xf32>
    %broadcast_in_dim3A_155 = vector.shape_cast %reduce_sum3A_154 : vector<1xf32> to vector<1x1xf32>
    %max3A_156 = arith.constant 1.000000e+00 : f32
    %max3A_157 = vector.broadcast %max3A_156 : f32 to vector<1x1xf32>
    %max3A_158 = arith.maximumf %broadcast_in_dim3A_155, %max3A_157 : vector<1x1xf32>
    %div3A_159 = arith.divf %broadcast_in_dim3A_152, %max3A_158 : vector<1x1xf32>
    %swap3A = arith.constant 0 : index
    %swap3A_160 = arith.constant 0 : index
    %swap3A_161 = vector.load %arg1[%swap3A, %swap3A_160] : memref<1x1xf32, #tpu.memory_space<vmem>>, vector<1x1xf32>
    tpu.vector_store %arg1[%swap3A, %swap3A_160], %div3A_159 {strides = array<i32>} : memref<1x1xf32, #tpu.memory_space<vmem>>, vector<1x1xf32>,
    return
  }
}

</mosaic_0001>

<sc_bundles>
// kernel: kernel.5.cloned.1.call-start
scs
__scs_entry_jumppad:
0x0: {  	(pc) =	sbr.rel $0x88, $3  }
0x1: {  	(tag) =	ssettag $0x0;
	lr =	simm.s32 $0x1  }
0x2: {  	[smem:$0x3F9F] =	sst lr;
	_ =	strace $0xD0000000  }
0x3: {  	_ = 	snop  }
0x4: {  	_ = 	snop  }
0x5: {  	_ = 	snop  }
0x6: {  	_ = 	snop  }
0x7: {  	_ = 	snop  }
__scs_overlays_trampoline_lowered:
0x8: {  	[smem:$0x3FAE] =	sst s0  }
0x9: {  	[smem:$0x3FAF] =	sst s1  }
0xa: {  	[smem:$0x3FB0] =	sst s2  }
0xb: {  	[smem:$0x3FB1] =	sst s3  }
0xc: {  	[smem:$0x3FB2] =	sst s4  }
0xd: {  	[smem:$0x3FB3] =	sst s5  }
0xe: {  	[smem:$0x3FB4] =	sst s6  }
0xf: {  	[smem:$0x3FB5] =	sst s7  }
0x10: {  	[smem:$0x3FB6] =	sst s8  }
0x11: {  	[smem:$0x3FB7] =	sst s9;
	s0 =	simm.s32 @!p0 $0x0  }
0x12: {  	s1 =	sld [smem:$0x3F9D];
	s0 =	simm.s32 @p0 $0x1  }
0x13: {  	[smem:$0x3FB8] =	sst s0;
	s0 =	simm.s32 @!p1 $0x0  }
0x14: {  	s2 =	sld [smem:$0x3F9C];
	s0 =	simm.s32 @p1 $0x1  }
0x15: {  	[smem:$0x3FB9] =	sst s0;
	s0 =	simm.s32 @!p2 $0x0  }
0x16: {  	s3 =	sld [smem:$0x3FDB];
	s0 =	simm.s32 @p2 $0x1  }
0x17: {  	s4 =	simm.s32 $0x1BF5;
	[smem:$0x3FBB] =	sst s0  }
0x18: {  	s0 =	sld [smem:$0x3F9E];
	_ =	swait.ge [sflag:s4], $0x0  }
0x19: {  	s7 =	sld [smem:$0x3F9F]  }
0x1a: {  	s8 =	sadd.s32 $0xFFFFE003, lr  }
0x1b: {  	s9 =	sadd.s32 $0xFFFFFEF7, lr;
	s5 =	simm.s32 $0xFFFFFFFF;
	p2 =	slt.u32 s8, $0xFFFFF086  }
0x1c: {  	p1 =	slt.u32 s9, $0xF7A;
	s5 =	simm.s32 @!p2 $0x0  }
0x1d: {  	s5 =	simm.s32 @p1 $0x1;
	p0 =	seq.s32 s7, s2  }
0x1e: {  	s7 =	smul.u32 @!p0 $0xF7A, s2;
	p2 =	seq.s32 @!p0 s5, $0x0  }
0x1f: {  	s9 =	smul.u32 $0xF7A, s1;
	s8 =	simm.s32 @!p0 $0x1BF5;
	p2 =	por !p2, p0  }
0x20: {  	[sflag:s8] =	ssyncset.s32 @!p0 $0xFFFFF086;
	s6 =	sadd.s32 @!p0 s3, s7;
	s7 =	simm.s32 @!p0 $0x108  }
0x21: {  	s3 =	sadd.s32 s3, s9;
	s6 =	sadd.s32 @!p0 $0x88, s6;
	s7 =	simm.s32 @p2 $0x1082  }
0x22: {  	[simem:s7], [sflag:s8] =	dma.local @!p0 [hbm:s6], $0xF7A  }
0x23: {  	s9 =	sor.u32 $0xD0000000, s2;
	s6 =	simm.s32 $0x108;
	_ =	swait.ge @!p0 [sflag:s8], $0x0  }
0x24: {  	s3 =	sadd.s32 $0x88, s3;
	s6 =	simm.s32 @!p1 $0x1082;
	[sflag:s4] =	ssyncset.s32 $0xFFFFF086  }
0x25: {  	[simem:s6], [sflag:s4] =	dma.local [hbm:s3], $0xF7A  }
0x26: {  	[smem:$0x3F9F] =	sst s1;
	(tag) =	ssettag s2;
	_ =	strace s9  }
0x27: {  	s1 =	sld [smem:$0x3FAF]  }
0x28: {  	s2 =	sld [smem:$0x3FB0]  }
0x29: {  	s4 =	sld [smem:$0x3FB2]  }
0x2a: {  	p0 =	seq.s32 s5, $0x0;
	s5 =	sld [smem:$0x3FB3]  }
0x2b: {  	s6 =	sld [smem:$0x3FB4]  }
0x2c: {  	s7 =	sld [smem:$0x3FB5]  }
0x2d: {  	s3 =	simm.s32 $0x108;
	s8 =	sld [smem:$0x3FB6]  }
0x2e: {  	s3 =	simm.s32 @!p0 $0x1082;
	s9 =	sld [smem:$0x3FB7]  }
0x2f: {  	lr =	sadd.s32 s0, s3;
	s0 =	sld [smem:$0x3FAE]  }
0x30: {  	s3 =	sld [smem:$0x3FB1]  }
0x31: {  	[smem:$0x3FBA] =	sst s10  }
0x32: {  	s10 =	sld [smem:$0x3FB8];
	_ =	sdelay $0x3  }
0x33: {  	p0 =	seq.s32 s10, $0x1;
	s10 =	sld [smem:$0x3FBA];
	_ =	sdelay $0x3  }
0x34: {  	[smem:$0x3FBA] =	sst s10  }
0x35: {  	s10 =	sld [smem:$0x3FB9];
	_ =	sdelay $0x3  }
0x36: {  	p1 =	seq.s32 s10, $0x1;
	s10 =	sld [smem:$0x3FBA];
	_ =	sdelay $0x3  }
0x37: {  	[smem:$0x3FBA] =	sst s10  }
0x38: {  	s10 =	sld [smem:$0x3FBB]  }
0x39: {  	_ = 	snop;
	(pc) =	sbr.ind lr, $3  }
0x3a: {  	_ = 	snop  }
0x3b: {  	_ = 	snop  }
0x3c: {  	p2 =	seq.s32 s10, $0x1;
	s10 =	sld [smem:$0x3FBA]  }
0x3d: {  	_ =	shalt  }
0x3e: {  	_ =	shalt  }
0x3f: {  	_ =	shalt  }
0x40: {  	_ =	shalt  }
0x41: {  	_ =	shalt  }
0x42: {  	_ =	shalt  }
0x43: {  	_ =	shalt  }
0x44: {  	_ =	shalt  }
0x45: {  	_ =	shalt  }
0x46: {  	_ =	shalt  }
0x47: {  	_ =	shalt  }
0x48: {  	_ =	shalt  }
0x49: {  	_ =	shalt  }
0x4a: {  	_ =	shalt  }
0x4b: {  	_ =	shalt  }
0x4c: {  	_ =	shalt  }
0x4d: {  	_ =	shalt  }
0x4e: {  	_ =	shalt  }
0x4f: {  	_ =	shalt  }
0x50: {  	_ =	shalt  }
0x51: {  	_ =	shalt  }
0x52: {  	_ =	shalt  }
0x53: {  	_ =	shalt  }
0x54: {  	_ =	shalt  }
0x55: {  	_ =	shalt  }
0x56: {  	_ =	shalt  }
0x57: {  	_ =	shalt  }
0x58: {  	_ =	shalt  }
0x59: {  	_ =	shalt  }
0x5a: {  	_ =	shalt  }
0x5b: {  	_ =	shalt  }
0x5c: {  	_ =	shalt  }
0x5d: {  	_ =	shalt  }
0x5e: {  	_ =	shalt  }
0x5f: {  	_ =	shalt  }
0x60: {  	_ =	shalt  }
0x61: {  	_ =	shalt  }
0x62: {  	_ =	shalt  }
0x63: {  	_ =	shalt  }
0x64: {  	_ =	shalt  }
0x65: {  	_ =	shalt  }
0x66: {  	_ =	shalt  }
0x67: {  	_ =	shalt  }
0x68: {  	_ =	shalt  }
0x69: {  	_ =	shalt  }
0x6a: {  	_ =	shalt  }
0x6b: {  	_ =	shalt  }
0x6c: {  	_ =	shalt  }
0x6d: {  	_ =	shalt  }
0x6e: {  	_ =	shalt  }
0x6f: {  	_ =	shalt  }
0x70: {  	_ =	shalt  }
0x71: {  	_ =	shalt  }
0x72: {  	_ =	shalt  }
0x73: {  	_ =	shalt  }
0x74: {  	_ =	shalt  }
0x75: {  	_ =	shalt  }
0x76: {  	_ =	shalt  }
0x77: {  	_ =	shalt  }
0x78: {  	_ =	shalt  }
0x79: {  	_ =	shalt  }
0x7a: {  	_ =	shalt  }
0x7b: {  	_ =	shalt  }
0x7c: {  	_ =	shalt  }
0x7d: {  	_ =	shalt  }
0x7e: {  	_ =	shalt  }
0x7f: {  	_ =	shalt  }
0x80: {  	_ =	shalt  }
0x81: {  	_ =	shalt  }
0x82: {  	_ =	shalt  }
0x83: {  	_ =	shalt  }
0x84: {  	_ =	shalt  }
0x85: {  	_ =	shalt  }
0x86: {  	_ =	shalt  }
0x87: {  	_ =	shalt  }
.Lfunc_end0:
.L_simem_size_0:
called_computation_lowered:
.L_overlay_start_0:
0x88: {  	s2 =	sld [smem:$0x3FD9]  }
0x89: {  	s3 =	sld [smem:$0x3FFE];
	_ =	sdelay $0x1  }
0x8a: {  	s1 =	srdreg.scid  }
0x8b: {  	s0 =	sand.u32 $0x1, s1  }
0x8c: {  	s16 =	sshll.u32 s0, $0xA;
	s2 =	sadd.s32 s3, s2  }
0x8d: {  	s2 =	sadd.s32 s2, s16  }
0x8e: {  	[smem:$0x3FC6] =	sst s2  }
0x8f: {  	_ = 	snop  }
0x90: {  	(tm) =	ssettm $0x1  }
0x91: {  	s17 =	sld [smem:$0x3FFB];
	_ =	sdelay $0x3  }
0x92: {  	_ =	strace s17  }
0x93: {  	s2 =	sld [smem:$0x3FFC];
	_ =	sdelay $0x3  }
0x94: {  	_ =	strace s2  }
0x95: {  	s2 =	sld [smem:$0x3FFD];
	_ =	sdelay $0x3  }
0x96: {  	_ =	strace s2  }
0x97: {  	_ =	strace $0x8FFFFFFF  }
0x98: {  	s18 =	sld [smem:$0x3FDB];
	_ =	sdelay $0x1  }
0x99: {  	s19 =	simm.s32 $_scs_section_size  }
0x9a: {  	s4 =	simm.s32 $_size__tile_overlayer_lowered;
	s5 =	simm.s32 $_tile_overlayer_lowered  }
0x9b: {  	s22 =	simm.s32 $0x1BFF;
	s21 =	sshll.u32 s5, $0x1;
	s2 =	sadd.s32 s19, s18  }
0x9c: {  	s6 =	simm.s32 $0x0;
	s20 =	sshll.u32 s4, $0x1;
	s4 =	sadd.s32 s21, s2  }
0x9d: {  	[timem:s6], [sflag:s22] =	dma.local [hbm:s4], s20  }
0x9e: {  	_ =	swait.ge [sflag:s22], s20  }
0x9f: {  	s3 =	ssub.s32 $0x0, s20;
	[sflag:s22] =	ssyncset.done $0x0  }
0xa0: {  	[sflag:s22] =	ssyncadd.s32 s3;
	_ =	sdelay $0x1  }
0xa1: {  	s23 =	simm.s32 $0x1B8B  }
0xa2: {  	_ =	swait.ge [sflag:s23], $0x1  }
0xa3: {  	[sflag:s23] =	ssyncset.done $0x0  }
0xa4: {  	s25 =	simm.s32 $0x1B8E;
	s24 =	sld [smem:$0x3FFE];
	[sflag:s23] =	ssyncadd.s32 $0xFFFFFFFF  }
0xa5: {  	s26 =	simm.s32 $execute0_lowered;
	[smem:$0x3FD2] =	sst s25  }
0xa6: {  	s4 =	sshll.u32 s26, $0x1;
	_ =	strace $0x80000046;
	[dreg:$0x1] =	wrdreg $0xFFFFFFFF  }
0xa7: {  	s28 =	simm.s32 $_size_execute0_lowered;
	s2 =	sadd.s32 s2, s4;
	[dreg:$0x0] =	wrdreg $0x0  }
0xa8: {  	s4 =	sshll.u32 s28, $0x1;
	[dreg:$0x2] =	wrdreg s2  }
0xa9: {  	[dreg:$0x3] =	wrdreg s4  }
0xaa: {  	[dreg:$0x4] =	wrdreg $0xC0  }
0xab: {  	_ =	task [dreg:s6], $0x5FFFF  }
0xac: {  	[dreg:$0x1] =	wrdreg $0xFFFFFFFF  }
0xad: {  	[dreg:$0x0] =	wrdreg $0x60  }
0xae: {  	[dreg:$0x2] =	wrdreg s24  }
0xaf: {  	[dreg:$0x3] =	wrdreg $0x9  }
0xb0: {  	_ =	task.clear_ibuf [dreg:s6], $0x4FFFF;
	_ =	strace $0x90000046  }
0xb1: {  	s29 =	simm.s32 $0x9;
	_ =	strace $0x80000048  }
0xb2: {  	_ =	swait.ge [sflag:s29], $0x1  }
0xb3: {  	[sflag:s29] =	ssyncadd.s32 $0xFFFFFFFF  }
0xb4: {  	_ =	strace $0x90000048  }
0xb5: {  	_ =	sfence  }
0xb6: {  	s30 =	sld [smem:$0x0];
	_ =	sdelay $0x2  }
0xb7: {  	s31 =	sshll.u32 s1, $0xD;
	s1 =	sshrl.u32 s1, $0x2  }
0xb8: {  	s3 =	sand.u32 $0x4000, s31;
	s1 =	sadd.s32 s1, s30  }
0xb9: {  	s0 =	sor.u32 s3, s0;
	s1 =	sshll.u32 s1, $0x11  }
0xba: {  	s0 =	sor.u32 s1, s0  }
0xbb: {  	s0 =	sadd.s32 $0x8F2B, s0  }
0xbc: {  	[sflag:s0] =	ssyncadd.remote.s32 $0x1  }
0xbd: {  	_ =	sfence.sel $0xFFFF  }
0xbe: {  	[dreg:$0x0] =	wrdreg $0xFFFFFFFF;
	(pc) =	sbr.abs _section_cstart, $3  }
0xbf: {  	[dreg:$0x1] =	wrdreg $0xFFFFFFFF  }
0xc0: {  	_ =	task.clear_ibuf [dreg:s6], $0x2FFFF;
	_ =	strace $0x9FFFFFFF  }
0xc1: {  	(tm) =	ssettm $0x7FFFFFFF  }
tec
execute0_lowered:
.L_overlay_start_1:
0x0: {  	(tag) =	ssettag $0x1  }
0x1: {  	s0 =	rddreg [dreg:$0x0];
	s2 =	simm.s32 $0x0;
	s1 =	srdreg.scid  }
0x2: {  	s3 =	stileid.u32;
	s11 =	simm.s32 $0x3;
	s16 =	simm.s32 $0x4800  }
0x3: {  	s17 =	simm.s32 $0x2000;
	s18 =	simm.s32 $0x4400;
	s19 =	simm.s32 $0x6800  }
0x4: {  	s20 =	simm.s32 $0x6C00;
	s21 =	simm.s32 $0x9000;
	s22 =	simm.s32 $0xB400  }
0x5: {  	s23 =	simm.s32 $0x8C00;
	s24 =	simm.s32 $0xB000;
	s25 =	simm.s32 $0xD400  }
0x6: {  	s26 =	simm.s32 $0x1;
	s28 =	simm.s32 $0xDA00;
	s29 =	simm.s32 $0x2  }
0x7: {  	s30 =	simm.s32 $0x0;
	s1 =	sand.u32 $0x1, s1;
	s3 =	sshll.u32 s3, $0x1  }
0x8: {  	[smem:$0x7FF] =	sst s2;
	s4 =	sadd.s32 $0x300C00, s0;
	s6 =	sor.u32 s1, s3  }
0x9: {  	s5 =	sadd.s32 $0x300A00, s0;
	s1 =	ssub.s32 $0x2, s1;
	s7 =	smul.u32 $0x1880, s6  }
0xa: {  	_ =	strace $0x80000047;
	s8 =	sshrl.u32 s1, $0x1;
	s9 =	smul.u32 $0x18000, s6  }
0xb: {  	s3 =	sadd.s32 $0xA00, s0;
	s6 =	sshll.u32 s6, $0x5;
	s1 =	ssub.s32 s1, s8  }
0xc: {  	s0 =	sadd.s32 s7, s0;
	s7 =	sadd.s32 s3, s9;
	s9 =	smax.u32 s1, $0x1  }
0xd: {  	v0 =	vimm.f32 $0.0e+00;
	v1 =	vimm.f32 $1.000000000e+00;
	s8 =	sadd.s32 $0x300E00, s0;
	s13 =	sadd.s32 $0x2000, s7;
	s15 =	sadd.s32 $0x4000, s7  }
.LBB2_1:
0xe: {  	s0 =	simm.s32 $0xD800  }
0xf: {  	[tilespmem:s0], [sflag:$0x3] =	stream.linear.gather [hbm4b:s4+s2], $0x100, $0x38;
	[tilespmem:$0x19E00] =	vst v63  }
0x10: {  	_ =	swait.ge [sflag:s11], $0x100  }
0x11: {  	[sflag:s11] =	ssyncset.done $0x0  }
0x12: {  	s31 =	simm.s32 $0xD900;
	[sflag:s11] =	ssyncadd.s32 $0xFFFFFF00  }
0x13: {  	[tilespmem:s31], [sflag:$0x3] =	stream.linear.gather [hbm4b:s5+s2], $0x100, $0x38;
	[tilespmem:$0x19E00] =	vst v63  }
0x14: {  	_ =	swait.ge [sflag:s11], $0x100  }
0x15: {  	[sflag:s11] =	ssyncset.done $0x0  }
0x16: {  	s1 =	simm.s32 $0x0;
	s0 =	simm.s32 $0x40;
	[sflag:s11] =	ssyncadd.s32 $0xFFFFFF00  }
.LBB2_2:
0x17: {  	p0 =	sne.s32 s0, $0x30FC0;
	[tilespmem:s1+$0xDA00] =	vst v0;
	s1 =	smov.u32 s0;
	s0 =	sadd.s32 $0x40, s0  }
.Ltmp0:
0x18: {  	(pc) =	sbr.rel @p0 .LBB2_2-.Ltmp0, $2  }
0x19: {  	_ =	sdelay $0x2  }
0x1a: {  	s1 =	sshra.s32 s1, $0x2  }
0x1b: {  	[tilespmem:s1+$0xDA00] =	vst v0  }
0x1c: {  	v2 =	vld [tilespmem:$0xD800]  }
0x1d: {  	v3 =	vld [tilespmem:$0xD810]  }
0x1e: {  	v4 =	vld [tilespmem:$0xD820]  }
0x1f: {  	v52 =	vld [tilespmem:$0xD900]  }
0x20: {  	v5 =	vld [tilespmem:$0xD910]  }
0x21: {  	v49 =	vld [tilespmem:$0xD920]  }
0x22: {  	v50 =	vld [tilespmem:$0xD930]  }
0x23: {  	v60 =	vld [tilespmem:$0xD940]  }
0x24: {  	v51 =	vld [tilespmem:$0xD950]  }
0x25: {  	v53 =	vld [tilespmem:$0xD960]  }
0x26: {  	v54 =	vld [tilespmem:$0xD970]  }
0x27: {  	v55 =	vld [tilespmem:$0xD980]  }
0x28: {  	v62 =	vld [tilespmem:$0xD990]  }
0x29: {  	v56 =	vld [tilespmem:$0xD9A0]  }
0x2a: {  	v57 =	vld [tilespmem:$0xD9B0]  }
0x2b: {  	v58 =	vld [tilespmem:$0xD9C0]  }
0x2c: {  	s31 =	simm.s32 $0x0;
	v59 =	vld [tilespmem:$0xD9D0]  }
0x2d: {  	v63 =	vld [tilespmem:$0xD9E0];
	[tilespmem:s31], [sflag:$0x1] =	stream.linear.gather [hbm4b:s7+s31], $0x2000, $0x38  }
0x2e: {  	s0 =	simm.s32 $0x2400  }
0x2f: {  	[tilespmem:s0], [sflag:$0x1] =	stream.linear.gather [hbm4b:s13+s31], $0x2000, $0x38;
	[tilespmem:$0x19E00] =	vst v63  }
0x30: {  	_ = 	snop  }
0x31: {  	[tilespmem:s16], [sflag:$0x1] =	stream.linear.gather [hbm4b:s15+s31], $0x2000, $0x38;
	[tilespmem:$0x19E00] =	vst v63  }
0x32: {  	[tilespmem:$0x1FF10] =	vst v5  }
0x33: {  	[tilespmem:$0x1FF20] =	vst v49  }
0x34: {  	[tilespmem:$0x1FF30] =	vst v50  }
0x35: {  	[tilespmem:$0x1FF40] =	vst v51  }
0x36: {  	[tilespmem:$0x1FF50] =	vst v53  }
0x37: {  	[tilespmem:$0x1FF60] =	vst v54  }
0x38: {  	[tilespmem:$0x1FF70] =	vst v55  }
0x39: {  	[tilespmem:$0x1FF80] =	vst v56  }
0x3a: {  	[tilespmem:$0x1FF90] =	vst v57  }
0x3b: {  	[tilespmem:$0x1FFA0] =	vst v58  }
0x3c: {  	[tilespmem:$0x1FFB0] =	vst v59  }
0x3d: {  	[tilespmem:$0x1FFC0] =	vst v52  }
0x3e: {  	[tilespmem:$0x1FFD0] =	vst v60  }
0x3f: {  	[tilespmem:s17], [sflag:$0x1] =	stream.linear.gather [hbm4b:s7+s31], $0x400, $0x38;
	[tilespmem:$0x19E00] =	vst v63  }
0x40: {  	v61 =	vshrl.u32 v2, $0x3;
	v2 =	vshll.u32 v2, $0x7;
	v19 =	vshrl.u32 v3, $0x3;
	[tilespmem:$0x1FFE0] =	vst v62  }
0x41: {  	v17 =	vmul.u32 $0x2400, v61;
	v18 =	vand.u32 $0x380, v2;
	v19 =	vmul.u32 $0x2400, v19;
	[tilespmem:s18], [sflag:$0x1] =	stream.linear.gather [hbm4b:s13+s31], $0x400, $0x38;
	[tilespmem:$0x19E00] =	vst v63  }
0x42: {  	[tilespmem:$0x1FFF0] =	vst v63;
	v2 =	vshll.u32 v3, $0x7;
	v3 =	vshrl.u32 v4, $0x3;
	v4 =	vshll.u32 v4, $0x7  }
0x43: {  	v20 =	vand.u32 $0x380, v2;
	v21 =	vmul.u32 $0x2400, v3;
	v22 =	vand.u32 $0x380, v4;
	[tilespmem:s19], [sflag:$0x1] =	stream.linear.gather [hbm4b:s15+s31], $0x400, $0x38;
	[tilespmem:$0x19E00] =	vst v63  }
.LBB2_4:
0x44: {  	v9 =	vld [tilespmem:$0x1FF40]  }
0x45: {  	s0 =	sshll.u32 s31, $0x1;
	v11 =	vld [tilespmem:$0x1FF60]  }
0x46: {  	v8 =	vld [tilespmem:$0x1FF30];
	s1 =	sor.u32 s6, s0  }
0x47: {  	v7 =	vld [tilespmem:$0x1FF20];
	s1 =	sshrl.u32 s1, $0x3  }
0x48: {  	s10 =	sshll.u32 s31, $0xE;
	v15 =	vld [tilespmem:$0x1FFA0];
	s1 =	smul.u32 $0x30000, s1  }
0x49: {  	v5 =	vand.u32 $0x7F, v60;
	v25 =	vshll.u32 v60, $0x3;
	v24 =	vshll.u32 v52, $0x3;
	v6 =	vld [tilespmem:$0x1FF10];
	s10 =	sand.u32 $0xC000, s10  }
0x4a: {  	v37 =	vshll.u32 v63, $0x3;
	v14 =	vld [tilespmem:$0x1FF90];
	v24 =	vand.u32 $0xFFFFFC00, v24;
	v25 =	vand.u32 $0xFFFFFC00, v25;
	s1 =	sor.u32 s1, s10  }
0x4b: {  	v23 =	vand.u32 $0x7F, v52;
	v16 =	vld [tilespmem:$0x1FFB0];
	v24 =	vadd.s32 v17, v24;
	v43 =	vadd.s32 v19, v25;
	s1 =	sor.u32 $0x2000, s1  }
0x4c: {  	v13 =	vld [tilespmem:$0x1FF80];
	v38 =	vand.u32 $0x7F, v62;
	v23 =	vor.u32 v23, v24;
	v5 =	vor.u32 v5, v43;
	s1 =	sshrl.u32 s1, $0x3  }
0x4d: {  	v12 =	vld [tilespmem:$0x1FF70];
	v23 =	vor.u32 v18, v23;
	v2 =	vand.u32 $0x7F, v9;
	v3 =	vshll.u32 v9, $0x3;
	s1 =	sadd.s32 s3, s1  }
0x4e: {  	v10 =	vld [tilespmem:$0x1FF50];
	v4 =	vshll.u32 v11, $0x3;
	v36 =	vand.u32 $0x7F, v11;
	v26 =	vand.u32 $0x7F, v8;
	[tilespmem:s20], [sflag:$0x2] =	stream.linear.gather [hbm4b:s1+s2], $0x2000, $0x38  }
0x4f: {  	v27 =	vshll.u32 v8, $0x3;
	v28 =	vand.u32 $0x7F, v7;
	v30 =	vand.u32 $0x7F, v15;
	s14 =	sadd.s32 $0x2000, s1  }
0x50: {  	v29 =	vand.u32 $0x7F, v6;
	v31 =	vand.u32 $0x7F, v14;
	v32 =	vshll.u32 v6, $0x3;
	[tilespmem:s21], [sflag:$0x2] =	stream.linear.gather [hbm4b:s14+s2], $0x2000, $0x38;
	[tilespmem:$0x19E00] =	vst v63  }
0x51: {  	v33 =	vshll.u32 v16, $0x3;
	v34 =	vand.u32 $0x7F, v13;
	v49 =	vshll.u32 v14, $0x3;
	s12 =	sadd.s32 $0x4000, s1  }
0x52: {  	v35 =	vshll.u32 v7, $0x3;
	v39 =	vand.u32 $0x7F, v12;
	v40 =	vshll.u32 v12, $0x3;
	[tilespmem:s22], [sflag:$0x2] =	stream.linear.gather [hbm4b:s12+s2], $0x2000, $0x38;
	[tilespmem:$0x19E00] =	vst v63  }
0x53: {  	v41 =	vshll.u32 v10, $0x3;
	v42 =	vshll.u32 v13, $0x3;
	v44 =	vand.u32 $0x7F, v10  }
0x54: {  	v50 =	vand.u32 $0x7F, v16;
	v43 =	vadd.s32 $0xA, v14;
	v32 =	vand.u32 $0xFFFFFC00, v32;
	[tilespmem:s23], [sflag:$0x2] =	stream.linear.gather [hbm4b:s1+s2], $0x400, $0x38;
	[tilespmem:$0x19E00] =	vst v63  }
0x55: {  	v48 =	vand.u32 $0xFFFFFC00, v33;
	v27 =	vand.u32 $0xFFFFFC00, v27;
	v3 =	vand.u32 $0xFFFFFC00, v3  }
0x56: {  	v41 =	vand.u32 $0xFFFFFC00, v41;
	v42 =	vand.u32 $0xFFFFFC00, v42;
	v25 =	vand.u32 $0xFFFFFC00, v40;
	[tilespmem:s24], [sflag:$0x2] =	stream.linear.gather [hbm4b:s14+s2], $0x400, $0x38;
	[tilespmem:$0x19E00] =	vst v63  }
0x57: {  	v35 =	vand.u32 $0xFFFFFC00, v35;
	v33 =	vand.u32 $0xFFFFFC00, v49;
	v24 =	vadd.s32 v19, v32  }
0x58: {  	v27 =	vadd.s32 v17, v27;
	v25 =	vadd.s32 v21, v25;
	v35 =	vadd.s32 v21, v35;
	[tilespmem:s25], [sflag:$0x2] =	stream.linear.gather [hbm4b:s12+s2], $0x400, $0x38;
	[tilespmem:$0x19E00] =	vst v63  }
0x59: {  	v3 =	vadd.s32 v21, v3;
	v26 =	vor.u32 v26, v27;
	v27 =	vshll.u32 v62, $0x3;
	_ =	swait.ge [sflag:s26], $0x6000  }
0x5a: {  	v33 =	vadd.s32 v21, v33;
	v55 =	vadd.s32 v19, v42;
	v27 =	vand.u32 $0xFFFFFC00, v27;
	[sflag:s26] =	ssyncset.done $0x0  }
0x5b: {  	v28 =	vor.u32 v28, v35;
	v51 =	vadd.s32 v17, v27;
	v27 =	vor.u32 v18, v26;
	[sflag:s26] =	ssyncadd.s32 $0xFFFFA000  }
0x5c: {  	v24 =	vor.u32 v29, v24;
	v25 =	vor.u32 v39, v25;
	v28 =	vor.u32 v22, v28;
	_ =	swait.ge [sflag:s26], $0xC00  }
0x5d: {  	v29 =	vshll.u32 v15, $0x3;
	v31 =	vor.u32 v31, v33;
	v25 =	vor.u32 v22, v25;
	[sflag:s26] =	ssyncset.done $0x0  }
0x5e: {  	v34 =	vor.u32 v34, v55;
	v24 =	vor.u32 v20, v24;
	v29 =	vand.u32 $0xFFFFFC00, v29;
	[sflag:s26] =	ssyncadd.s32 $0xFFFFF400  }
0x5f: {  	v2 =	vor.u32 v2, v3;
	v61 =	vadd.s32 v17, v29;
	v29 =	vor.u32 v22, v31;
	v58 =	vld.idx.msk [tilespmem:v23+s2+$0x0], $0xffff  }
0x60: {  	v3 =	vadd.s32 v19, v48;
	v33 =	vor.u32 v20, v34;
	v30 =	vor.u32 v30, v61;
	v56 =	vld.idx.msk [tilespmem:v27+s2+$0x0], $0xffff  }
0x61: {  	v34 =	vor.u32 v20, v5;
	v32 =	vor.u32 v22, v2;
	v31 =	vor.u32 v18, v30;
	v59 =	vld.idx.msk [tilespmem:v28+s2+$0x0], $0xffff  }
0x62: {  	v2 =	vor.u32 v50, v3;
	v3 =	vand.u32 $0xFFFFFC00, v4;
	v26 =	vadd.s32 v17, v41;
	v54 =	vld.idx.msk [tilespmem:v25+s2+$0x0], $0xffff  }
0x63: {  	v26 =	vor.u32 v44, v26;
	v4 =	vor.u32 v38, v51;
	v30 =	vor.u32 v20, v2;
	v61 =	vld.idx.msk [tilespmem:v24+s2+$0x0], $0xffff  }
0x64: {  	v2 =	vadd.s32 v19, v3;
	v35 =	vor.u32 v18, v4;
	v3 =	vand.u32 $0xFFFFFC00, v37;
	v53 =	vld.idx.msk [tilespmem:v29+s2+$0x0], $0xffff  }
0x65: {  	v36 =	vor.u32 v36, v2;
	v2 =	vand.u32 $0x7F, v63;
	v4 =	vadd.s32 v21, v3;
	v57 =	vld.idx.msk [tilespmem:v33+s2+$0x0], $0xffff  }
0x66: {  	v45 =	vadd.s32 $0xA, v10;
	v26 =	vor.u32 v18, v26;
	v37 =	vor.u32 v2, v4;
	v55 =	vld.idx.msk [tilespmem:v31+s2+$0x0], $0xffff  }
0x67: {  	v46 =	vadd.s32 $0xA, v12;
	v38 =	vadd.s32 $0xA, v63;
	v5 =	vor.u32 v22, v37;
	v63 =	vld.idx.msk [tilespmem:v34+s2+$0x0], $0xffff  }
0x68: {  	v47 =	vadd.s32 $0xA, v6;
	v40 =	vadd.s32 $0xA, v16;
	v3 =	vor.u32 v20, v36;
	v2 =	vld.idx.msk [tilespmem:v32+s2+$0x0], $0xffff  }
0x69: {  	v49 =	vadd.s32 $0xA, v8;
	v42 =	vadd.s32 $0xA, v13;
	v41 =	vadd.s32 $0xA, v62;
	[tilespmem:$0x1FEE0] =	vst v23;
	v62 =	vld.idx.msk [tilespmem:v35+s2+$0x0], $0xffff  }
0x6a: {  	v39 =	vadd.s32 $0xA, v15;
	v48 =	vadd.s32 $0xA, v7;
	v44 =	vadd.s32 $0xA, v60;
	[tilespmem:$0x1FEF0] =	vst v25;
	v60 =	vld.idx.msk [tilespmem:v30+s2+$0x0], $0xffff  }
0x6b: {  	v50 =	vadd.s32 $0xA, v52;
	v52 =	vadd.s32 $0xA, v11;
	v51 =	vadd.s32 $0xA, v9;
	s1 =	simm.s32 $0x65;
	[tilespmem:$0x1FF00] =	vst v24;
	v4 =	vld.idx.msk [tilespmem:v26+s2+$0x0], $0xffff  }
.LBB2_5:
0x6c: {  	v6 =	vand.u32 $0x7F, v51;
	v7 =	vshll.u32 v51, $0x3;
	v8 =	vshll.u32 v52, $0x3;
	p0 =	sne.s32 s1, $0x1;
	s1 =	sadd.s32 $0xFFFFFFFF, s1;
	v5 =	vld.idx.msk [tilespmem:v5+s2+$0x0], $0xffff  }
0x6d: {  	v9 =	vand.u32 $0x7F, v44;
	v10 =	vshll.u32 v44, $0x3;
	v11 =	vand.u32 $0x7F, v52;
	v3 =	vld.idx.msk [tilespmem:v3+s2+$0x0], $0xffff  }
0x6e: {  	v12 =	vand.u32 $0x7F, v49;
	v13 =	vshll.u32 v49, $0x3;
	v14 =	vshll.u32 v38, $0x3;
	[tilespmem:v58+s28+$0x0] =	vst.idx.add.f32.msk $0xffff, v1  }
0x6f: {  	v15 =	vand.u32 $0x7F, v48;
	v16 =	vand.u32 $0x7F, v39;
	v58 =	vand.u32 $0x7F, v50;
	[tilespmem:v61+s28+$0x0] =	vst.idx.add.f32.msk $0xffff, v1  }
0x70: {  	v23 =	vand.u32 $0x7F, v47;
	v24 =	vand.u32 $0x7F, v43;
	v61 =	vshll.u32 v50, $0x3;
	[tilespmem:v59+s28+$0x0] =	vst.idx.add.f32.msk $0xffff, v1  }
0x71: {  	v25 =	vshll.u32 v40, $0x3;
	v59 =	vand.u32 $0xFFFFFC00, v61;
	v61 =	vshll.u32 v47, $0x3;
	[tilespmem:v56+s28+$0x0] =	vst.idx.add.f32.msk $0xffff, v1  }
0x72: {  	v56 =	vadd.s32 v17, v59;
	v59 =	vand.u32 $0xFFFFFC00, v61;
	v61 =	vand.u32 $0x7F, v42;
	[tilespmem:v63+s28+$0x0] =	vst.idx.add.f32.msk $0xffff, v1  }
0x73: {  	v25 =	vand.u32 $0xFFFFFC00, v25;
	v56 =	vor.u32 v58, v56;
	v58 =	vadd.s32 v19, v59;
	[tilespmem:v2+s28+$0x0] =	vst.idx.add.f32.msk $0xffff, v1  }
0x74: {  	v2 =	vor.u32 v18, v56;
	v23 =	vor.u32 v23, v58;
	v56 =	vshll.u32 v39, $0x3;
	[tilespmem:v4+s28+$0x0] =	vst.idx.add.f32.msk $0xffff, v1  }
0x75: {  	v13 =	vand.u32 $0xFFFFFC00, v13;
	v4 =	vor.u32 v20, v23;
	v23 =	vshll.u32 v43, $0x3;
	[tilespmem:v3+s28+$0x0] =	vst.idx.add.f32.msk $0xffff, v1  }
0x76: {  	v10 =	vand.u32 $0xFFFFFC00, v10;
	v63 =	vand.u32 $0x7F, v41;
	v3 =	vshll.u32 v48, $0x3;
	[tilespmem:v54+s28+$0x0] =	vst.idx.add.f32.msk $0xffff, v1  }
0x77: {  	v13 =	vadd.s32 v17, v13;
	v58 =	vshll.u32 v46, $0x3;
	v54 =	vand.u32 $0x7F, v46;
	[tilespmem:v62+s28+$0x0] =	vst.idx.add.f32.msk $0xffff, v1  }
0x78: {  	v7 =	vand.u32 $0xFFFFFC00, v7;
	v59 =	vshll.u32 v45, $0x3;
	v62 =	vshll.u32 v42, $0x3;
	[tilespmem:v57+s28+$0x0] =	vst.idx.add.f32.msk $0xffff, v1  }
0x79: {  	v10 =	vadd.s32 v19, v10;
	v57 =	vand.u32 $0xFFFFFC00, v59;
	v59 =	vand.u32 $0xFFFFFC00, v62;
	[tilespmem:v53+s28+$0x0] =	vst.idx.add.f32.msk $0xffff, v1  }
0x7a: {  	v12 =	vor.u32 v12, v13;
	v13 =	vand.u32 $0x7F, v45;
	v53 =	vand.u32 $0xFFFFFC00, v58;
	[tilespmem:v55+s28+$0x0] =	vst.idx.add.f32.msk $0xffff, v1  }
0x7b: {  	v62 =	vand.u32 $0x7F, v40;
	v53 =	vadd.s32 v21, v53;
	v55 =	vshll.u32 v41, $0x3;
	[tilespmem:v60+s28+$0x0] =	vst.idx.add.f32.msk $0xffff, v1  }
0x7c: {  	v3 =	vand.u32 $0xFFFFFC00, v3;
	v53 =	vor.u32 v54, v53;
	v54 =	vand.u32 $0xFFFFFC00, v55;
	[tilespmem:v5+s28+$0x0] =	vst.idx.add.f32.msk $0xffff, v1  }
0x7d: {  	v3 =	vadd.s32 v21, v3;
	v5 =	vor.u32 v22, v53;
	v53 =	vadd.s32 v17, v54  }
0x7e: {  	v12 =	vor.u32 v18, v12;
	v3 =	vor.u32 v15, v3;
	v15 =	vadd.s32 v17, v57  }
0x7f: {  	v9 =	vor.u32 v9, v10;
	v10 =	vand.u32 $0xFFFFFC00, v23;
	v3 =	vor.u32 v22, v3  }
0x80: {  	v7 =	vadd.s32 v21, v7;
	v23 =	vand.u32 $0xFFFFFC00, v56;
	v10 =	vadd.s32 v21, v10  }
0x81: {  	v23 =	vadd.s32 v17, v23;
	v10 =	vor.u32 v24, v10;
	v54 =	vadd.s32 v19, v59  }
0x82: {  	v16 =	vor.u32 v16, v23;
	v10 =	vor.u32 v22, v10;
	v58 =	vld.idx.msk [tilespmem:v2+s2+$0x0], $0xffff;
	v2 =	vor.u32 v61, v54  }
0x83: {  	v56 =	vld.idx.msk [tilespmem:v12+s2+$0x0], $0xffff;
	v12 =	vor.u32 v13, v15;
	v2 =	vor.u32 v20, v2;
	v13 =	vor.u32 v18, v16  }
0x84: {  	v59 =	vld.idx.msk [tilespmem:v3+s2+$0x0], $0xffff;
	v3 =	vor.u32 v6, v7;
	v6 =	vor.u32 v18, v12;
	v7 =	vadd.s32 v19, v25  }
0x85: {  	v9 =	vor.u32 v20, v9;
	v12 =	vor.u32 v22, v3;
	v54 =	vld.idx.msk [tilespmem:v5+s2+$0x0], $0xffff;
	v3 =	vor.u32 v62, v7  }
0x86: {  	v5 =	vor.u32 v63, v53;
	v61 =	vld.idx.msk [tilespmem:v4+s2+$0x0], $0xffff;
	v4 =	vand.u32 $0xFFFFFC00, v8;
	v7 =	vor.u32 v20, v3  }
0x87: {  	v3 =	vadd.s32 v19, v4;
	v4 =	vor.u32 v18, v5;
	v53 =	vld.idx.msk [tilespmem:v10+s2+$0x0], $0xffff;
	v5 =	vand.u32 $0xFFFFFC00, v14  }
0x88: {  	v3 =	vor.u32 v11, v3;
	v57 =	vld.idx.msk [tilespmem:v2+s2+$0x0], $0xffff;
	v2 =	vand.u32 $0x7F, v38;
	v5 =	vadd.s32 v21, v5  }
0x89: {  	v38 =	vadd.s32 $0xA, v38;
	v3 =	vor.u32 v20, v3;
	v55 =	vld.idx.msk [tilespmem:v13+s2+$0x0], $0xffff;
	v2 =	vor.u32 v2, v5  }
.Ltmp1:
0x8a: {  	v39 =	vadd.s32 $0xA, v39;
	v40 =	vadd.s32 $0xA, v40;
	v63 =	vld.idx.msk [tilespmem:v9+s2+$0x0], $0xffff;
	v5 =	vor.u32 v22, v2;
	(pc) =	sbr.rel @p0 .LBB2_5-.Ltmp1, $4  }
0x8b: {  	v43 =	vadd.s32 $0xA, v43;
	v42 =	vadd.s32 $0xA, v42;
	v41 =	vadd.s32 $0xA, v41;
	v2 =	vld.idx.msk [tilespmem:v12+s2+$0x0], $0xffff  }
0x8c: {  	v44 =	vadd.s32 $0xA, v44;
	v45 =	vadd.s32 $0xA, v45;
	v46 =	vadd.s32 $0xA, v46;
	v62 =	vld.idx.msk [tilespmem:v4+s2+$0x0], $0xffff  }
0x8d: {  	v49 =	vadd.s32 $0xA, v49;
	v47 =	vadd.s32 $0xA, v47;
	v48 =	vadd.s32 $0xA, v48;
	v60 =	vld.idx.msk [tilespmem:v7+s2+$0x0], $0xffff  }
0x8e: {  	v51 =	vadd.s32 $0xA, v51;
	v52 =	vadd.s32 $0xA, v52;
	v50 =	vadd.s32 $0xA, v50;
	v4 =	vld.idx.msk [tilespmem:v6+s2+$0x0], $0xffff  }
0x8f: {  	_ =	sdelay $0x3  }
0x90: {  	v5 =	vld.idx.msk [tilespmem:v5+s2+$0x0], $0xffff  }
0x91: {  	v3 =	vld.idx.msk [tilespmem:v3+s2+$0x0], $0xffff  }
0x92: {  	[tilespmem:v58+s28+$0x0] =	vst.idx.add.f32.msk $0xffff, v1  }
0x93: {  	[tilespmem:v61+s28+$0x0] =	vst.idx.add.f32.msk $0xffff, v1  }
0x94: {  	[tilespmem:v59+s28+$0x0] =	vst.idx.add.f32.msk $0xffff, v1  }
0x95: {  	[tilespmem:v56+s28+$0x0] =	vst.idx.add.f32.msk $0xffff, v1  }
0x96: {  	[tilespmem:v63+s28+$0x0] =	vst.idx.add.f32.msk $0xffff, v1  }
0x97: {  	[tilespmem:v2+s28+$0x0] =	vst.idx.add.f32.msk $0xffff, v1  }
0x98: {  	p0 =	seq.s32 s31, $0xF;
	[tilespmem:v4+s28+$0x0] =	vst.idx.add.f32.msk $0xffff, v1  }
0x99: {  	s0 =	sadd.s32 @!p0 $0x2, s0;
	[tilespmem:v3+s28+$0x0] =	vst.idx.add.f32.msk $0xffff, v1  }
0x9a: {  	s1 =	sadd.s32 @!p0 s6, s0;
	[tilespmem:v54+s28+$0x0] =	vst.idx.add.f32.msk $0xffff, v1  }
0x9b: {  	s1 =	sshrl.u32 @!p0 s1, $0x3;
	[tilespmem:v62+s28+$0x0] =	vst.idx.add.f32.msk $0xffff, v1  }
0x9c: {  	s0 =	sshll.u32 @!p0 s0, $0xD;
	s1 =	smul.u32 @!p0 $0x30000, s1;
	[tilespmem:v57+s28+$0x0] =	vst.idx.add.f32.msk $0xffff, v1  }
0x9d: {  	s0 =	sand.u32 @!p0 $0xC000, s0;
	[tilespmem:v53+s28+$0x0] =	vst.idx.add.f32.msk $0xffff, v1  }
0x9e: {  	s0 =	sor.u32 @!p0 s0, s1;
	[tilespmem:v55+s28+$0x0] =	vst.idx.add.f32.msk $0xffff, v1  }
0x9f: {  	s0 =	sshrl.u32 @!p0 s0, $0x3;
	[tilespmem:v60+s28+$0x0] =	vst.idx.add.f32.msk $0xffff, v1  }
0xa0: {  	s1 =	simm.s32 @!p0 $0x0;
	s0 =	sadd.s32 @!p0 s3, s0;
	[tilespmem:v5+s28+$0x0] =	vst.idx.add.f32.msk $0xffff, v1  }
0xa1: {  	[tilespmem:s1], [sflag:$0x1] =	stream.linear.gather @!p0 [hbm4b:s0+s1], $0x2000, $0x38;
	[tilespmem:$0x19E00] =	vst v63  }
0xa2: {  	s12 =	simm.s32 @!p0 $0x2400;
	s10 =	sadd.s32 @!p0 $0x2000, s0  }
0xa3: {  	[tilespmem:s12], [sflag:$0x1] =	stream.linear.gather @!p0 [hbm4b:s10+s1], $0x2000, $0x38;
	[tilespmem:$0x19E00] =	vst v63  }
0xa4: {  	s14 =	simm.s32 @!p0 $0x4800;
	s12 =	sadd.s32 @!p0 $0x4000, s0  }
0xa5: {  	[tilespmem:s14], [sflag:$0x1] =	stream.linear.gather @!p0 [hbm4b:s12+s1], $0x2000, $0x38;
	[tilespmem:$0x19E00] =	vst v63  }
0xa6: {  	s14 =	simm.s32 @!p0 $0x2000  }
0xa7: {  	[tilespmem:s14], [sflag:$0x1] =	stream.linear.gather @!p0 [hbm4b:s0+s1], $0x400, $0x38;
	[tilespmem:$0x19E00] =	vst v63  }
0xa8: {  	s0 =	simm.s32 @!p0 $0x4400  }
0xa9: {  	[tilespmem:s0], [sflag:$0x1] =	stream.linear.gather @!p0 [hbm4b:s10+s1], $0x400, $0x38;
	[tilespmem:$0x19E00] =	vst v63  }
0xaa: {  	s0 =	simm.s32 @!p0 $0x6800  }
0xab: {  	[tilespmem:s0], [sflag:$0x1] =	stream.linear.gather @!p0 [hbm4b:s12+s1], $0x400, $0x38;
	[tilespmem:$0x19E00] =	vst v63  }
0xac: {  	_ =	swait.ge [sflag:s29], $0x6000  }
0xad: {  	[sflag:s29] =	ssyncset.done $0x0  }
0xae: {  	[sflag:s29] =	ssyncadd.s32 $0xFFFFA000  }
0xaf: {  	_ =	swait.ge [sflag:s29], $0xC00  }
0xb0: {  	v2 =	vld [tilespmem:$0x1FEE0];
	_ =	sdelay $0x5  }
0xb1: {  	[sflag:s29] =	ssyncset.done $0x0  }
0xb2: {  	[sflag:s29] =	ssyncadd.s32 $0xFFFFF400  }
0xb3: {  	v44 =	vld.idx.msk [tilespmem:v2+s20+$0x0], $0xffff  }
0xb4: {  	v2 =	vld [tilespmem:$0x1FEF0];
	_ =	sdelay $0x7  }
0xb5: {  	v39 =	vld.idx.msk [tilespmem:v2+s20+$0x0], $0xffff  }
0xb6: {  	v2 =	vld [tilespmem:$0x1FF00];
	_ =	sdelay $0x4  }
0xb7: {  	v4 =	vld [tilespmem:$0x1FF80];
	_ =	sdelay $0x1  }
0xb8: {  	v45 =	vld.idx.msk [tilespmem:v28+s20+$0x0], $0xffff  }
0xb9: {  	v47 =	vld.idx.msk [tilespmem:v2+s20+$0x0], $0xffff  }
0xba: {  	v2 =	vld [tilespmem:$0x1FFA0]  }
0xbb: {  	v28 =	vadd.s32 $0xA, v4;
	v4 =	vld [tilespmem:$0x1FF90];
	_ =	sdelay $0x2  }
0xbc: {  	v38 =	vld.idx.msk [tilespmem:v29+s20+$0x0], $0xffff  }
0xbd: {  	v24 =	vadd.s32 $0xA, v2;
	v2 =	vld [tilespmem:$0x1FFB0]  }
0xbe: {  	v29 =	vadd.s32 $0xA, v4;
	v4 =	vld [tilespmem:$0x1FF50];
	_ =	sdelay $0x3  }
0xbf: {  	v25 =	vadd.s32 $0xA, v2;
	v2 =	vld.idx.msk [tilespmem:v32+s20+$0x0], $0xffff  }
0xc0: {  	v32 =	vadd.s32 $0xA, v4;
	v4 =	vld [tilespmem:$0x1FF70];
	_ =	sdelay $0x3  }
0xc1: {  	v41 =	vld.idx.msk [tilespmem:v33+s20+$0x0], $0xffff  }
0xc2: {  	v33 =	vadd.s32 $0xA, v4;
	v4 =	vld [tilespmem:$0x1FF10]  }
0xc3: {  	v63 =	vld [tilespmem:$0x1FFF0]  }
0xc4: {  	v62 =	vld [tilespmem:$0x1FFE0]  }
0xc5: {  	v6 =	vld [tilespmem:$0x1FF40]  }
0xc6: {  	v43 =	vld.idx.msk [tilespmem:v30+s20+$0x0], $0xffff  }
0xc7: {  	v30 =	vadd.s32 $0xA, v4;
	v4 =	vld [tilespmem:$0x1FF20]  }
0xc8: {  	v60 =	vld [tilespmem:$0x1FFD0]  }
0xc9: {  	v52 =	vld [tilespmem:$0x1FFC0]  }
0xca: {  	v48 =	vld.idx.msk [tilespmem:v34+s20+$0x0], $0xffff  }
0xcb: {  	v3 =	vor.u32 v20, v36;
	v36 =	vadd.s32 $0xA, v6;
	v6 =	vld [tilespmem:$0x1FF60]  }
0xcc: {  	v34 =	vadd.s32 $0xA, v4;
	v4 =	vld [tilespmem:$0x1FF30]  }
0xcd: {  	v5 =	vor.u32 v22, v37  }
0xce: {  	v42 =	vld.idx.msk [tilespmem:v27+s20+$0x0], $0xffff  }
0xcf: {  	v40 =	vld.idx.msk [tilespmem:v31+s20+$0x0], $0xffff  }
0xd0: {  	v46 =	vld.idx.msk [tilespmem:v35+s20+$0x0], $0xffff;
	v23 =	vadd.s32 $0xA, v63;
	v27 =	vadd.s32 $0xA, v62;
	v31 =	vadd.s32 $0xA, v60  }
0xd1: {  	s0 =	simm.s32 $0x65;
	v37 =	vadd.s32 $0xA, v6;
	v35 =	vadd.s32 $0xA, v4;
	v4 =	vld.idx.msk [tilespmem:v26+s20+$0x0], $0xffff;
	v26 =	vadd.s32 $0xA, v52  }
.LBB2_7:
0xd2: {  	v6 =	vand.u32 $0x7F, v36;
	v7 =	vshll.u32 v36, $0x3;
	v8 =	vshll.u32 v37, $0x3;
	p0 =	sne.s32 s0, $0x1;
	s0 =	sadd.s32 $0xFFFFFFFF, s0;
	v5 =	vld.idx.msk [tilespmem:v5+s20+$0x0], $0xffff  }
0xd3: {  	v9 =	vand.u32 $0x7F, v31;
	v10 =	vshll.u32 v31, $0x3;
	v11 =	vand.u32 $0x7F, v37;
	v3 =	vld.idx.msk [tilespmem:v3+s20+$0x0], $0xffff  }
0xd4: {  	v12 =	vand.u32 $0x7F, v35;
	v13 =	vshll.u32 v35, $0x3;
	v14 =	vshll.u32 v23, $0x3;
	[tilespmem:v44+s28+$0x0] =	vst.idx.add.f32.msk $0xffff, v1  }
0xd5: {  	v15 =	vand.u32 $0x7F, v26;
	v16 =	vand.u32 $0x7F, v34;
	v49 =	vand.u32 $0x7F, v24;
	[tilespmem:v47+s28+$0x0] =	vst.idx.add.f32.msk $0xffff, v1  }
0xd6: {  	v50 =	vand.u32 $0x7F, v29;
	v44 =	vshll.u32 v26, $0x3;
	v47 =	vand.u32 $0x7F, v30;
	[tilespmem:v45+s28+$0x0] =	vst.idx.add.f32.msk $0xffff, v1  }
0xd7: {  	v51 =	vshll.u32 v25, $0x3;
	v44 =	vand.u32 $0xFFFFFC00, v44;
	v45 =	vshll.u32 v30, $0x3;
	[tilespmem:v42+s28+$0x0] =	vst.idx.add.f32.msk $0xffff, v1  }
0xd8: {  	v42 =	vadd.s32 v17, v44;
	v44 =	vand.u32 $0xFFFFFC00, v45;
	v45 =	vand.u32 $0x7F, v28;
	[tilespmem:v48+s28+$0x0] =	vst.idx.add.f32.msk $0xffff, v1  }
0xd9: {  	v15 =	vor.u32 v15, v42;
	v42 =	vadd.s32 v19, v44;
	v48 =	vand.u32 $0xFFFFFC00, v51;
	[tilespmem:v2+s28+$0x0] =	vst.idx.add.f32.msk $0xffff, v1  }
0xda: {  	v2 =	vor.u32 v18, v15;
	v15 =	vor.u32 v47, v42;
	v42 =	vshll.u32 v24, $0x3;
	[tilespmem:v4+s28+$0x0] =	vst.idx.add.f32.msk $0xffff, v1  }
0xdb: {  	v13 =	vand.u32 $0xFFFFFC00, v13;
	v4 =	vor.u32 v20, v15;
	v15 =	vshll.u32 v29, $0x3;
	[tilespmem:v3+s28+$0x0] =	vst.idx.add.f32.msk $0xffff, v1  }
0xdc: {  	v10 =	vand.u32 $0xFFFFFC00, v10;
	v51 =	vand.u32 $0x7F, v27;
	v3 =	vshll.u32 v34, $0x3;
	[tilespmem:v39+s28+$0x0] =	vst.idx.add.f32.msk $0xffff, v1  }
0xdd: {  	v13 =	vadd.s32 v17, v13;
	v44 =	vshll.u32 v33, $0x3;
	v39 =	vand.u32 $0x7F, v33;
	[tilespmem:v46+s28+$0x0] =	vst.idx.add.f32.msk $0xffff, v1  }
0xde: {  	v7 =	vand.u32 $0xFFFFFC00, v7;
	v47 =	vshll.u32 v28, $0x3;
	v46 =	vshll.u32 v32, $0x3;
	[tilespmem:v41+s28+$0x0] =	vst.idx.add.f32.msk $0xffff, v1  }
0xdf: {  	v10 =	vadd.s32 v19, v10;
	v41 =	vand.u32 $0xFFFFFC00, v46;
	v46 =	vand.u32 $0xFFFFFC00, v47;
	[tilespmem:v38+s28+$0x0] =	vst.idx.add.f32.msk $0xffff, v1  }
0xe0: {  	v12 =	vor.u32 v12, v13;
	v13 =	vand.u32 $0x7F, v32;
	v38 =	vand.u32 $0xFFFFFC00, v44;
	[tilespmem:v40+s28+$0x0] =	vst.idx.add.f32.msk $0xffff, v1  }
0xe1: {  	v47 =	vand.u32 $0x7F, v25;
	v38 =	vadd.s32 v21, v38;
	v40 =	vshll.u32 v27, $0x3;
	[tilespmem:v43+s28+$0x0] =	vst.idx.add.f32.msk $0xffff, v1  }
0xe2: {  	v3 =	vand.u32 $0xFFFFFC00, v3;
	v38 =	vor.u32 v39, v38;
	v39 =	vand.u32 $0xFFFFFC00, v40;
	[tilespmem:v5+s28+$0x0] =	vst.idx.add.f32.msk $0xffff, v1  }
0xe3: {  	v3 =	vadd.s32 v21, v3;
	v5 =	vor.u32 v22, v38;
	v38 =	vadd.s32 v17, v39  }
0xe4: {  	v12 =	vor.u32 v18, v12;
	v3 =	vor.u32 v16, v3;
	v16 =	vadd.s32 v17, v41  }
0xe5: {  	v9 =	vor.u32 v9, v10;
	v10 =	vand.u32 $0xFFFFFC00, v15;
	v3 =	vor.u32 v22, v3  }
0xe6: {  	v7 =	vadd.s32 v21, v7;
	v15 =	vand.u32 $0xFFFFFC00, v42;
	v10 =	vadd.s32 v21, v10  }
0xe7: {  	v15 =	vadd.s32 v17, v15;
	v10 =	vor.u32 v50, v10;
	v39 =	vadd.s32 v19, v46  }
0xe8: {  	v15 =	vor.u32 v49, v15;
	v10 =	vor.u32 v22, v10;
	v44 =	vld.idx.msk [tilespmem:v2+s20+$0x0], $0xffff;
	v2 =	vor.u32 v45, v39  }
0xe9: {  	v42 =	vld.idx.msk [tilespmem:v12+s20+$0x0], $0xffff;
	v12 =	vor.u32 v13, v16;
	v2 =	vor.u32 v20, v2;
	v13 =	vor.u32 v18, v15  }
0xea: {  	v45 =	vld.idx.msk [tilespmem:v3+s20+$0x0], $0xffff;
	v3 =	vor.u32 v6, v7;
	v6 =	vor.u32 v18, v12;
	v7 =	vadd.s32 v19, v48  }
0xeb: {  	v9 =	vor.u32 v20, v9;
	v12 =	vor.u32 v22, v3;
	v39 =	vld.idx.msk [tilespmem:v5+s20+$0x0], $0xffff;
	v3 =	vor.u32 v47, v7  }
0xec: {  	v5 =	vor.u32 v51, v38;
	v47 =	vld.idx.msk [tilespmem:v4+s20+$0x0], $0xffff;
	v4 =	vand.u32 $0xFFFFFC00, v8;
	v7 =	vor.u32 v20, v3  }
0xed: {  	v3 =	vadd.s32 v19, v4;
	v4 =	vor.u32 v18, v5;
	v38 =	vld.idx.msk [tilespmem:v10+s20+$0x0], $0xffff;
	v5 =	vand.u32 $0xFFFFFC00, v14  }
0xee: {  	v3 =	vor.u32 v11, v3;
	v41 =	vld.idx.msk [tilespmem:v2+s20+$0x0], $0xffff;
	v2 =	vand.u32 $0x7F, v23;
	v5 =	vadd.s32 v21, v5  }
0xef: {  	v23 =	vadd.s32 $0xA, v23;
	v3 =	vor.u32 v20, v3;
	v40 =	vld.idx.msk [tilespmem:v13+s20+$0x0], $0xffff;
	v2 =	vor.u32 v2, v5  }
.Ltmp2:
0xf0: {  	v24 =	vadd.s32 $0xA, v24;
	v25 =	vadd.s32 $0xA, v25;
	v48 =	vld.idx.msk [tilespmem:v9+s20+$0x0], $0xffff;
	v5 =	vor.u32 v22, v2;
	(pc) =	sbr.rel @p0 .LBB2_7-.Ltmp2, $4  }
0xf1: {  	v28 =	vadd.s32 $0xA, v28;
	v29 =	vadd.s32 $0xA, v29;
	v27 =	vadd.s32 $0xA, v27;
	v2 =	vld.idx.msk [tilespmem:v12+s20+$0x0], $0xffff  }
0xf2: {  	v31 =	vadd.s32 $0xA, v31;
	v33 =	vadd.s32 $0xA, v33;
	v32 =	vadd.s32 $0xA, v32;
	v46 =	vld.idx.msk [tilespmem:v4+s20+$0x0], $0xffff  }
0xf3: {  	v35 =	vadd.s32 $0xA, v35;
	v30 =	vadd.s32 $0xA, v30;
	v34 =	vadd.s32 $0xA, v34;
	v43 =	vld.idx.msk [tilespmem:v7+s20+$0x0], $0xffff  }
0xf4: {  	v36 =	vadd.s32 $0xA, v36;
	v37 =	vadd.s32 $0xA, v37;
	v26 =	vadd.s32 $0xA, v26;
	v4 =	vld.idx.msk [tilespmem:v6+s20+$0x0], $0xffff  }
0xf5: {  	_ =	sdelay $0x3  }
0xf6: {  	v5 =	vld.idx.msk [tilespmem:v5+s20+$0x0], $0xffff  }
0xf7: {  	v3 =	vld.idx.msk [tilespmem:v3+s20+$0x0], $0xffff  }
0xf8: {  	[tilespmem:v44+s28+$0x0] =	vst.idx.add.f32.msk $0xffff, v1  }
0xf9: {  	[tilespmem:v47+s28+$0x0] =	vst.idx.add.f32.msk $0xffff, v1  }
0xfa: {  	[tilespmem:v45+s28+$0x0] =	vst.idx.add.f32.msk $0xffff, v1  }
0xfb: {  	[tilespmem:v42+s28+$0x0] =	vst.idx.add.f32.msk $0xffff, v1  }
0xfc: {  	[tilespmem:v48+s28+$0x0] =	vst.idx.add.f32.msk $0xffff, v1  }
0xfd: {  	[tilespmem:v2+s28+$0x0] =	vst.idx.add.f32.msk $0xffff, v1  }
0xfe: {  	[tilespmem:v4+s28+$0x0] =	vst.idx.add.f32.msk $0xffff, v1  }
0xff: {  	[tilespmem:v3+s28+$0x0] =	vst.idx.add.f32.msk $0xffff, v1  }
0x100: {  	s31 =	sadd.s32 $0x1, s31;
	[tilespmem:v39+s28+$0x0] =	vst.idx.add.f32.msk $0xffff, v1  }
0x101: {  	p0 =	sne.s32 s31, $0x10;
	[tilespmem:v46+s28+$0x0] =	vst.idx.add.f32.msk $0xffff, v1  }
.Ltmp3:
0x102: {  	[tilespmem:v41+s28+$0x0] =	vst.idx.add.f32.msk $0xffff, v1;
	(pc) =	sbr.rel @p0 .LBB2_4-.Ltmp3, $4  }
0x103: {  	[tilespmem:v38+s28+$0x0] =	vst.idx.add.f32.msk $0xffff, v1  }
0x104: {  	[tilespmem:v40+s28+$0x0] =	vst.idx.add.f32.msk $0xffff, v1  }
0x105: {  	[tilespmem:v43+s28+$0x0] =	vst.idx.add.f32.msk $0xffff, v1  }
0x106: {  	[tilespmem:v5+s28+$0x0] =	vst.idx.add.f32.msk $0xffff, v1  }
0x107: {  	s30 =	sadd.s32 $0x1, s30  }
0x108: {  	p0 =	sne.s32 s30, s9  }
.Ltmp4:
0x109: {  	_ = 	snop;
	(pc) =	sbr.rel @p0 .LBB2_1-.Ltmp4, $4  }
0x10a: {  	[hbm4b:s8+s2] =	stream.linear.scatter [tilespmem:s28], [sflag:$0x3], $0xC400, $0x38;
	[tilespmem:$0x19E00] =	vst v63  }
0x10b: {  	_ =	swait.ge [sflag:s11], $0xC400  }
0x10c: {  	[sflag:s11] =	ssyncset.done $0x0  }
0x10d: {  	[sflag:s11] =	ssyncadd.s32 $0xFFFF3C00  }
0x10e: {  	_ =	sfence.sel $0x180000  }
0x10f: {  	[bflag:$0x0] =	sbarrier.arrive $0xFFFF  }
0x110: {  	_ =	strace $0x90000047  }
0x111: {  	s0 =	stileid.u32;
	[bflag:$0x2] =	sbarrier.arrive $0xFFFF  }
0x112: {  	p0 =	sne.s32 s0, $0x0;
	s0 =	rddreg [dreg:$0x1]  }
0x113: {  	s0 =	sadd.s32 @!p0 $0x100000, s0  }
0x114: {  	[sflag:s0] =	ssyncadd.tile.s32 @!p0 $0x1;
	_ =	shalt  }
.Lfunc_end2:
_tile_overlayer_lowered:
.L_overlay_start_2:
0x115: {  	(tag) =	ssettag $0x2  }
0x116: {  	s0 =	rddreg [dreg:$0x0];
	s2 =	stileid.u32  }
0x117: {  	s1 =	rddreg [dreg:$0x1];
	p0 =	sne.s32 s2, $0x0  }
0x118: {  	s3 =	rddreg [dreg:$0x2];
	[bflag:$0x3] =	sbarrier.arrive $0xFFFF;
	s2 =	simm.s32 @!p0 $0x1C03  }
0x119: {  	[timem:s3], [sflag:s2] =	dma.local @!p0 [hbm:s0], s1  }
0x11a: {  	s0 =	simm.s32 @!p0 $0x3  }
0x11b: {  	_ =	swait.ge @!p0 [sflag:s0], s1  }
0x11c: {  	s1 =	ssub.s32 @!p0 $0x0, s1;
	[sflag:s0] =	ssyncset.done @!p0 $0x0  }
0x11d: {  	[sflag:s0] =	ssyncadd.s32 @!p0 s1  }
0x11e: {  	[bflag:$0x3] =	sbarrier.arrive $0xFFFF  }
0x11f: {  	_ =	shalt  }

</sc_bundles>
